<compile_context>
chip_gen: v7x
topology: tpu7x:2x2x1
jax: 0.10.2.dev20260603
libtpu: 0.0.44.dev20260713+nightly
codegen_flags: <defaults>
</compile_context>

<pallas_src>
import functools

import jax
import jax.numpy as jnp
from jax import lax
from jax.experimental import pallas as pl
from jax.experimental.pallas import tpu as pltpu
from jax.experimental.pallas import tpu_sc as plsc

VOCAB = 100000
NUM_SENSE = 3
EMB_DIM = 64

NUM_CORES = 2
NUM_SUBCORES = 16
NW = NUM_CORES * NUM_SUBCORES
LANES = 16
NVREG = EMB_DIM // LANES
NCHUNK = 4


def _sc_fused(emb_table, disamb_table, idx, ctx):
    B = idx.shape[0]
    b_per_w = B // NW
    cb = b_per_w // NCHUNK
    n3 = NUM_SENSE * cb
    mesh = plsc.VectorSubcoreMesh(core_axis_name="c", subcore_axis_name="s")

    rows_t = pltpu.VMEM((n3, EMB_DIM), jnp.float32)
    idx3_t = pltpu.VMEM((n3,), jnp.int32)

    @functools.partial(
        pl.kernel,
        mesh=mesh,
        compiler_params=pltpu.CompilerParams(
            use_tc_tiling_on_sc=False, needs_layout_passes=False
        ),
        out_type=jax.ShapeDtypeStruct((B, EMB_DIM), jnp.float32),
        scratch_types=[
            pltpu.VMEM((b_per_w,), jnp.int32),
            idx3_t, idx3_t,
            rows_t, rows_t,
            rows_t, rows_t,
            pltpu.VMEM((cb, EMB_DIM), jnp.float32),
            pltpu.VMEM((cb, EMB_DIM), jnp.float32),
            pltpu.SemaphoreType.DMA, pltpu.SemaphoreType.DMA,
            pltpu.SemaphoreType.DMA, pltpu.SemaphoreType.DMA,
        ],
    )
    def k(emb_hbm, dis_hbm, idx_hbm, ctx_hbm, out_hbm,
          idx_v, idx3_a, idx3_b, er_a, er_b, dr_a, dr_b, ctx_v, out_v,
          sem_ea, sem_eb, sem_da, sem_db):
        wid = lax.axis_index("s") * NUM_CORES + lax.axis_index("c")
        base = wid * b_per_w
        pltpu.sync_copy(idx_hbm.at[pl.ds(base, b_per_w)], idx_v)

        bufs = ((idx3_a, er_a, dr_a, sem_ea, sem_da),
                (idx3_b, er_b, dr_b, sem_eb, sem_db))

        def issue(c):
            idx3, er, dr, se, sd = bufs[c % 2]

            @pl.loop(0, cb, step=LANES)
            def _(j):
                w3 = idx_v[pl.ds(c * cb + j, LANES)] * NUM_SENSE
                idx3[pl.ds(j, LANES)] = w3
                idx3[pl.ds(cb + j, LANES)] = w3 + 1
                idx3[pl.ds(2 * cb + j, LANES)] = w3 + 2

            ce = pltpu.async_copy(emb_hbm.at[idx3], er, se)
            cd = pltpu.async_copy(dis_hbm.at[idx3], dr, sd)
            return ce, cd

        inflight = [None, None]
        inflight[0] = issue(0)
        for c in range(NCHUNK):
            if c + 1 < NCHUNK:
                inflight[(c + 1) % 2] = issue(c + 1)
            _, er, dr, _, _ = bufs[c % 2]
            ce, cd = inflight[c % 2]
            pltpu.sync_copy(ctx_hbm.at[pl.ds(base + c * cb, cb)], ctx_v)
            cd.wait()
            ce.wait()

            @pl.loop(0, cb)
            def _(j):
                cv = [ctx_v[j, pl.ds(kk * LANES, LANES)] for kk in range(NVREG)]
                ss = []
                for s in range(NUM_SENSE):
                    acc = dr[s * cb + j, pl.ds(0, LANES)] * cv[0]
                    for kk in range(1, NVREG):
                        acc += dr[s * cb + j, pl.ds(kk * LANES, LANES)] * cv[kk]
                    ss.append(jnp.sum(acc))
                m = jnp.maximum(ss[0], jnp.maximum(ss[1], ss[2]))
                ev = [jnp.exp(lax.broadcast(ss[s] - m, (LANES,)))
                      for s in range(NUM_SENSE)]
                den = ev[0] + ev[1] + ev[2]
                for kk in range(NVREG):
                    sl = pl.ds(kk * LANES, LANES)
                    num = ev[0] * er[j, sl]
                    num += ev[1] * er[cb + j, sl]
                    num += ev[2] * er[2 * cb + j, sl]
                    out_v[j, sl] = num / den

            pltpu.sync_copy(out_v, out_hbm.at[pl.ds(base + c * cb, cb)])

    return k(emb_table, disamb_table, idx, ctx)


def kernel(word_ids, ctx, emb_table, disamb_table):
    idx = word_ids.astype(jnp.int32)
    return _sc_fused(emb_table, disamb_table, idx, ctx)

# --- scband reference (transcript-rebuilt; emitter-appended) ---
"""Pipeline reference for scband-net-7919919694129 (READ-ONLY COPY).

The authoritative reference and input builder live on the scoring server;
editing this copy changes nothing except your own understanding.
"""

import jax, jax.numpy as jnp
import numpy as np

VOCAB = 100000
NUM_SENSE = 3
EMB_DIM = 64
BATCH = 16384

def setup_inputs(seed: int = 0) -> dict:
    key = jax.random.key(seed)
    k1, k2, k3, k4 = jax.random.split(key, 4)
    word_ids = jax.random.randint(k1, (BATCH,), 0, VOCAB, dtype=jnp.int64 if jax.config.read('jax_enable_x64') else jnp.int32)
    ctx = jax.random.normal(k2, (BATCH, EMB_DIM), dtype=jnp.float32)
    bound = 1.0 / EMB_DIM
    emb_table = jax.random.uniform(k3, (VOCAB * NUM_SENSE, EMB_DIM), minval=-bound, maxval=bound, dtype=jnp.float32)
    disamb_table = jax.random.uniform(k4, (VOCAB * NUM_SENSE, EMB_DIM), minval=-bound, maxval=bound, dtype=jnp.float32)
    return {"word_ids": word_ids, "ctx": ctx, "emb_table": emb_table, "disamb_table": disamb_table}

def reference(word_ids, ctx, emb_table, disamb_table):
    # sense_ids[b, i] = word_ids[b] * num_sense + i
    sense_ids = word_ids[:, None] * NUM_SENSE + jnp.arange(NUM_SENSE, dtype=word_ids.dtype)[None, :]  # [B, S]
    sense_embs = jnp.take(emb_table, sense_ids, axis=0)      # [B, S, D]
    disamb_embs = jnp.take(disamb_table, sense_ids, axis=0)  # [B, S, D]
    # use_M = False, so no projection
    alpha = jnp.matmul(disamb_embs, ctx[:, :, None])          # [B, S, 1]
    alpha = jax.nn.softmax(alpha, axis=1)                     # softmax over senses
    sum_emb = jnp.sum(alpha * sense_embs, axis=1)             # [B, D]
    return sum_emb

if __name__ == "__main__":
    import jax
    _d = setup_inputs()
    print(jax.jit(kernel)(*tuple(_d.values())))

</pallas_src>

<mosaic_0001>
#map = affine_map<(d0, d1) -> (0, 0)>
#map1 = affine_map<(d0, d1) -> (0)>
module attributes {stable_mosaic.version = 14 : i64} {
  func.func @k(%arg0: i32, %arg1: i32, %arg2: memref<300000x64xf32, #tpu.memory_space<hbm>>, %arg3: memref<300000x64xf32, #tpu.memory_space<hbm>>, %arg4: memref<16384xi32, #tpu.memory_space<hbm>>, %arg5: memref<16384x64xf32, #tpu.memory_space<hbm>>, %arg6: memref<16384x64xf32, #tpu.memory_space<hbm>>, %arg7: memref<512xi32, #tpu.memory_space<vmem>>, %arg8: memref<384xi32, #tpu.memory_space<vmem>>, %arg9: memref<384xi32, #tpu.memory_space<vmem>>, %arg10: memref<384x64xf32, #tpu.memory_space<vmem>>, %arg11: memref<384x64xf32, #tpu.memory_space<vmem>>, %arg12: memref<384x64xf32, #tpu.memory_space<vmem>>, %arg13: memref<384x64xf32, #tpu.memory_space<vmem>>, %arg14: memref<128x64xf32, #tpu.memory_space<vmem>>, %arg15: memref<128x64xf32, #tpu.memory_space<vmem>>, %arg16: memref<!tpu.dma_semaphore, #tpu.memory_space<semaphore_mem>>, %arg17: memref<!tpu.dma_semaphore, #tpu.memory_space<semaphore_mem>>, %arg18: memref<!tpu.dma_semaphore, #tpu.memory_space<semaphore_mem>>, %arg19: memref<!tpu.dma_semaphore, #tpu.memory_space<semaphore_mem>>) attributes {dimension_semantics = [#tpu.dimension_semantics<core_parallel>, #tpu.dimension_semantics<subcore_parallel>], iteration_bounds = array<i64: 2, 16>, scalar_prefetch = 0 : i64, scratch_operands = 13 : i64, tpu.core_type = #tpu.core_type<sc_vector_subcore>, window_params = [{transform_indices = #map}, {transform_indices = #map}, {transform_indices = #map1}, {transform_indices = #map}, {transform_indices = #map}]} {
    %mul3A = arith.constant 2 : i32
    %mul3A_0 = arith.muli %arg1, %mul3A : i32
    %add3A = arith.addi %mul3A_0, %arg0 : i32
    %mul3A_1 = arith.constant 512 : i32
    %mul3A_2 = arith.muli %add3A, %mul3A_1 : i32
    "tpu.region"() ({
      %run_scoped3A = tpu.sem_alloc : memref<!tpu.dma_semaphore, #tpu.memory_space<semaphore_mem>>
      %dma_start3A_104 = tpu.memref_slice %arg4[%mul3A_2] : memref<16384xi32, #tpu.memory_space<hbm>> -> memref<512xi32, #tpu.memory_space<hbm>>
      %dma_start3A_105 = tpu.memref_slice %arg4[%mul3A_2] : memref<16384xi32, #tpu.memory_space<hbm>> -> memref<512xi32, #tpu.memory_space<hbm>>
      tpu.enqueue_dma source(%dma_start3A_105 : memref<512xi32, #tpu.memory_space<hbm>>) target(%arg7 : memref<512xi32, #tpu.memory_space<vmem>>) target_semaphore(%run_scoped3A : memref<!tpu.dma_semaphore, #tpu.memory_space<semaphore_mem>>)
      %dma_wait3A_106 = tpu.memref_slice %arg4[%mul3A_2] : memref<16384xi32, #tpu.memory_space<hbm>> -> memref<512xi32, #tpu.memory_space<hbm>>
      %dma_wait3A_107 = tpu.memref_slice %arg4[%mul3A_2] : memref<16384xi32, #tpu.memory_space<hbm>> -> memref<512xi32, #tpu.memory_space<hbm>>
      tpu.wait_dma2 semaphore(%run_scoped3A : memref<!tpu.dma_semaphore, #tpu.memory_space<semaphore_mem>>) src(%dma_wait3A_107 : memref<512xi32, #tpu.memory_space<hbm>>) dst(%arg7 : memref<512xi32, #tpu.memory_space<vmem>>)
      tpu.yield
    }) : () -> ()
    %scan3A = arith.constant 0 : i32
    %scan3A_3 = arith.constant 8 : i32
    %scan3A_4 = arith.addi %scan3A, %scan3A_3 : i32
    %scan3A_5 = arith.constant 1 : i32
    scf.for %scan3A_104 = %scan3A to %scan3A_4 step %scan3A_5  : i32 {
      %mul3A_105 = arith.constant 16 : i32
      %mul3A_106 = arith.muli %scan3A_104, %mul3A_105 : i32
      %add3A_107 = arith.constant 0 : i32
      %add3A_108 = arith.addi %add3A_107, %mul3A_106 : i32
      %add3A_109 = arith.constant 0 : i32
      %add3A_110 = arith.addi %add3A_109, %add3A_108 : i32
      %get3A = arith.index_cast %add3A_110 : i32 to index
      %get3A_111 = tpu.vector_load %arg7[%get3A] {strides = array<i32>} : memref<512xi32, #tpu.memory_space<vmem>>, vector<16xi32>,
      %mul3A_112 = arith.constant 3 : i32
      %mul3A_113 = vector.broadcast %mul3A_112 : i32 to vector<16xi32>
      %mul3A_114 = arith.muli %get3A_111, %mul3A_113 : vector<16xi32>
      %swap3A = arith.index_cast %add3A_108 : i32 to index
      %swap3A_115 = tpu.vector_load %arg8[%swap3A] {strides = array<i32>} : memref<384xi32, #tpu.memory_space<vmem>>, vector<16xi32>,
      tpu.vector_store %arg8[%swap3A], %mul3A_114 {strides = array<i32>} : memref<384xi32, #tpu.memory_space<vmem>>, vector<16xi32>,
      %add3A_116 = arith.constant 1 : i32
      %add3A_117 = vector.broadcast %add3A_116 : i32 to vector<16xi32>
      %add3A_118 = arith.addi %mul3A_114, %add3A_117 : vector<16xi32>
      %add3A_119 = arith.constant 128 : i32
      %add3A_120 = arith.addi %add3A_119, %add3A_108 : i32
      %swap3A_121 = arith.index_cast %add3A_120 : i32 to index
      %swap3A_122 = tpu.vector_load %arg8[%swap3A_121] {strides = array<i32>} : memref<384xi32, #tpu.memory_space<vmem>>, vector<16xi32>,
      tpu.vector_store %arg8[%swap3A_121], %add3A_118 {strides = array<i32>} : memref<384xi32, #tpu.memory_space<vmem>>, vector<16xi32>,
      %add3A_123 = arith.constant 2 : i32
      %add3A_124 = vector.broadcast %add3A_123 : i32 to vector<16xi32>
      %add3A_125 = arith.addi %mul3A_114, %add3A_124 : vector<16xi32>
      %add3A_126 = arith.constant 256 : i32
      %add3A_127 = arith.addi %add3A_126, %add3A_108 : i32
      %swap3A_128 = arith.index_cast %add3A_127 : i32 to index
      %swap3A_129 = tpu.vector_load %arg8[%swap3A_128] {strides = array<i32>} : memref<384xi32, #tpu.memory_space<vmem>>, vector<16xi32>,
      tpu.vector_store %arg8[%swap3A_128], %add3A_125 {strides = array<i32>} : memref<384xi32, #tpu.memory_space<vmem>>, vector<16xi32>,
    }
    %scan3A_6 = arith.constant 8 : i32
    %dma_start3A = arith.constant 0 : i32
    %dma_start3A_7 = arith.constant 0 : i32
    %dma_start3A_8 = tpu.memref_slice %arg2[%dma_start3A, %dma_start3A_7] : memref<300000x64xf32, #tpu.memory_space<hbm>> -> memref<300000x64xf32, #tpu.memory_space<hbm>>
    tpu.enqueue_indirect_dma source(%dma_start3A_8 : memref<300000x64xf32, #tpu.memory_space<hbm>>) target(%arg10 : memref<384x64xf32, #tpu.memory_space<vmem>>) offsets(%arg8 : memref<384xi32, #tpu.memory_space<vmem>>) semaphore(%arg16 : memref<!tpu.dma_semaphore, #tpu.memory_space<semaphore_mem>>)
    %dma_start3A_9 = arith.constant 0 : i32
    %dma_start3A_10 = arith.constant 0 : i32
    %dma_start3A_11 = tpu.memref_slice %arg3[%dma_start3A_9, %dma_start3A_10] : memref<300000x64xf32, #tpu.memory_space<hbm>> -> memref<300000x64xf32, #tpu.memory_space<hbm>>
    tpu.enqueue_indirect_dma source(%dma_start3A_11 : memref<300000x64xf32, #tpu.memory_space<hbm>>) target(%arg12 : memref<384x64xf32, #tpu.memory_space<vmem>>) offsets(%arg8 : memref<384xi32, #tpu.memory_space<vmem>>) semaphore(%arg18 : memref<!tpu.dma_semaphore, #tpu.memory_space<semaphore_mem>>)
    %scan3A_12 = arith.constant 0 : i32
    %scan3A_13 = arith.constant 8 : i32
    %scan3A_14 = arith.addi %scan3A_12, %scan3A_13 : i32
    %scan3A_15 = arith.constant 1 : i32
    scf.for %scan3A_104 = %scan3A_12 to %scan3A_14 step %scan3A_15  : i32 {
      %mul3A_105 = arith.constant 16 : i32
      %mul3A_106 = arith.muli %scan3A_104, %mul3A_105 : i32
      %add3A_107 = arith.constant 0 : i32
      %add3A_108 = arith.addi %add3A_107, %mul3A_106 : i32
      %add3A_109 = arith.constant 128 : i32
      %add3A_110 = arith.addi %add3A_109, %add3A_108 : i32
      %get3A = arith.index_cast %add3A_110 : i32 to index
      %get3A_111 = tpu.vector_load %arg7[%get3A] {strides = array<i32>} : memref<512xi32, #tpu.memory_space<vmem>>, vector<16xi32>,
      %mul3A_112 = arith.constant 3 : i32
      %mul3A_113 = vector.broadcast %mul3A_112 : i32 to vector<16xi32>
      %mul3A_114 = arith.muli %get3A_111, %mul3A_113 : vector<16xi32>
      %swap3A = arith.index_cast %add3A_108 : i32 to index
      %swap3A_115 = tpu.vector_load %arg9[%swap3A] {strides = array<i32>} : memref<384xi32, #tpu.memory_space<vmem>>, vector<16xi32>,
      tpu.vector_store %arg9[%swap3A], %mul3A_114 {strides = array<i32>} : memref<384xi32, #tpu.memory_space<vmem>>, vector<16xi32>,
      %add3A_116 = arith.constant 1 : i32
      %add3A_117 = vector.broadcast %add3A_116 : i32 to vector<16xi32>
      %add3A_118 = arith.addi %mul3A_114, %add3A_117 : vector<16xi32>
      %add3A_119 = arith.constant 128 : i32
      %add3A_120 = arith.addi %add3A_119, %add3A_108 : i32
      %swap3A_121 = arith.index_cast %add3A_120 : i32 to index
      %swap3A_122 = tpu.vector_load %arg9[%swap3A_121] {strides = array<i32>} : memref<384xi32, #tpu.memory_space<vmem>>, vector<16xi32>,
      tpu.vector_store %arg9[%swap3A_121], %add3A_118 {strides = array<i32>} : memref<384xi32, #tpu.memory_space<vmem>>, vector<16xi32>,
      %add3A_123 = arith.constant 2 : i32
      %add3A_124 = vector.broadcast %add3A_123 : i32 to vector<16xi32>
      %add3A_125 = arith.addi %mul3A_114, %add3A_124 : vector<16xi32>
      %add3A_126 = arith.constant 256 : i32
      %add3A_127 = arith.addi %add3A_126, %add3A_108 : i32
      %swap3A_128 = arith.index_cast %add3A_127 : i32 to index
      %swap3A_129 = tpu.vector_load %arg9[%swap3A_128] {strides = array<i32>} : memref<384xi32, #tpu.memory_space<vmem>>, vector<16xi32>,
      tpu.vector_store %arg9[%swap3A_128], %add3A_125 {strides = array<i32>} : memref<384xi32, #tpu.memory_space<vmem>>, vector<16xi32>,
    }
    %scan3A_16 = arith.constant 8 : i32
    %dma_start3A_17 = arith.constant 0 : i32
    %dma_start3A_18 = arith.constant 0 : i32
    %dma_start3A_19 = tpu.memref_slice %arg2[%dma_start3A_17, %dma_start3A_18] : memref<300000x64xf32, #tpu.memory_space<hbm>> -> memref<300000x64xf32, #tpu.memory_space<hbm>>
    tpu.enqueue_indirect_dma source(%dma_start3A_19 : memref<300000x64xf32, #tpu.memory_space<hbm>>) target(%arg11 : memref<384x64xf32, #tpu.memory_space<vmem>>) offsets(%arg9 : memref<384xi32, #tpu.memory_space<vmem>>) semaphore(%arg17 : memref<!tpu.dma_semaphore, #tpu.memory_space<semaphore_mem>>)
    %dma_start3A_20 = arith.constant 0 : i32
    %dma_start3A_21 = arith.constant 0 : i32
    %dma_start3A_22 = tpu.memref_slice %arg3[%dma_start3A_20, %dma_start3A_21] : memref<300000x64xf32, #tpu.memory_space<hbm>> -> memref<300000x64xf32, #tpu.memory_space<hbm>>
    tpu.enqueue_indirect_dma source(%dma_start3A_22 : memref<300000x64xf32, #tpu.memory_space<hbm>>) target(%arg13 : memref<384x64xf32, #tpu.memory_space<vmem>>) offsets(%arg9 : memref<384xi32, #tpu.memory_space<vmem>>) semaphore(%arg19 : memref<!tpu.dma_semaphore, #tpu.memory_space<semaphore_mem>>)
    %add3A_23 = arith.constant 0 : i32
    %add3A_24 = arith.addi %mul3A_2, %add3A_23 : i32
    "tpu.region"() ({
      %run_scoped3A = tpu.sem_alloc : memref<!tpu.dma_semaphore, #tpu.memory_space<semaphore_mem>>
      %dma_start3A_104 = arith.constant 0 : i32
      %dma_start3A_105 = tpu.memref_slice %arg5[%add3A_24, %dma_start3A_104] : memref<16384x64xf32, #tpu.memory_space<hbm>> -> memref<128x64xf32, #tpu.memory_space<hbm>>
      %dma_start3A_106 = arith.constant 0 : i32
      %dma_start3A_107 = tpu.memref_slice %arg5[%add3A_24, %dma_start3A_106] : memref<16384x64xf32, #tpu.memory_space<hbm>> -> memref<128x64xf32, #tpu.memory_space<hbm>>
      tpu.enqueue_dma source(%dma_start3A_107 : memref<128x64xf32, #tpu.memory_space<hbm>>) target(%arg14 : memref<128x64xf32, #tpu.memory_space<vmem>>) target_semaphore(%run_scoped3A : memref<!tpu.dma_semaphore, #tpu.memory_space<semaphore_mem>>)
      %dma_wait3A_108 = arith.constant 0 : i32
      %dma_wait3A_109 = tpu.memref_slice %arg5[%add3A_24, %dma_wait3A_108] : memref<16384x64xf32, #tpu.memory_space<hbm>> -> memref<128x64xf32, #tpu.memory_space<hbm>>
      %dma_wait3A_110 = arith.constant 0 : i32
      %dma_wait3A_111 = tpu.memref_slice %arg5[%add3A_24, %dma_wait3A_110] : memref<16384x64xf32, #tpu.memory_space<hbm>> -> memref<128x64xf32, #tpu.memory_space<hbm>>
      tpu.wait_dma2 semaphore(%run_scoped3A : memref<!tpu.dma_semaphore, #tpu.memory_space<semaphore_mem>>) src(%dma_wait3A_111 : memref<128x64xf32, #tpu.memory_space<hbm>>) dst(%arg14 : memref<128x64xf32, #tpu.memory_space<vmem>>)
      tpu.yield
    }) : () -> ()
    %dma_wait3A = arith.constant 0 : i32
    %dma_wait3A_25 = arith.constant 0 : i32
    %dma_wait3A_26 = tpu.memref_slice %arg3[%dma_wait3A, %dma_wait3A_25] : memref<300000x64xf32, #tpu.memory_space<hbm>> -> memref<300000x64xf32, #tpu.memory_space<hbm>>
    tpu.wait_indirect_dma semaphore(%arg18 : memref<!tpu.dma_semaphore, #tpu.memory_space<semaphore_mem>>) src(%dma_wait3A_26 : memref<300000x64xf32, #tpu.memory_space<hbm>>) dst(%arg12 : memref<384x64xf32, #tpu.memory_space<vmem>>)
    %dma_wait3A_27 = arith.constant 0 : i32
    %dma_wait3A_28 = arith.constant 0 : i32
    %dma_wait3A_29 = tpu.memref_slice %arg2[%dma_wait3A_27, %dma_wait3A_28] : memref<300000x64xf32, #tpu.memory_space<hbm>> -> memref<300000x64xf32, #tpu.memory_space<hbm>>
    tpu.wait_indirect_dma semaphore(%arg16 : memref<!tpu.dma_semaphore, #tpu.memory_space<semaphore_mem>>) src(%dma_wait3A_29 : memref<300000x64xf32, #tpu.memory_space<hbm>>) dst(%arg10 : memref<384x64xf32, #tpu.memory_space<vmem>>)
    %scan3A_30 = arith.constant 0 : i32
    %scan3A_31 = arith.constant 128 : i32
    %scan3A_32 = arith.addi %scan3A_30, %scan3A_31 : i32
    %scan3A_33 = arith.constant 1 : i32
    scf.for %scan3A_104 = %scan3A_30 to %scan3A_32 step %scan3A_33  : i32 {
      %mul3A_105 = arith.constant 1 : i32
      %mul3A_106 = arith.muli %scan3A_104, %mul3A_105 : i32
      %add3A_107 = arith.constant 0 : i32
      %add3A_108 = arith.addi %add3A_107, %mul3A_106 : i32
      %get3A = arith.index_cast %add3A_108 : i32 to index
      %get3A_109 = arith.constant 0 : index
      %get3A_110 = tpu.vector_load %arg14[%get3A, %get3A_109] {strides = array<i32>} : memref<128x64xf32, #tpu.memory_space<vmem>>, vector<16xf32>,
      %get3A_111 = arith.index_cast %add3A_108 : i32 to index
      %get3A_112 = arith.constant 16 : index
      %get3A_113 = tpu.vector_load %arg14[%get3A_111, %get3A_112] {strides = array<i32>} : memref<128x64xf32, #tpu.memory_space<vmem>>, vector<16xf32>,
      %get3A_114 = arith.index_cast %add3A_108 : i32 to index
      %get3A_115 = arith.constant 32 : index
      %get3A_116 = tpu.vector_load %arg14[%get3A_114, %get3A_115] {strides = array<i32>} : memref<128x64xf32, #tpu.memory_space<vmem>>, vector<16xf32>,
      %get3A_117 = arith.index_cast %add3A_108 : i32 to index
      %get3A_118 = arith.constant 48 : index
      %get3A_119 = tpu.vector_load %arg14[%get3A_117, %get3A_118] {strides = array<i32>} : memref<128x64xf32, #tpu.memory_space<vmem>>, vector<16xf32>,
      %add3A_120 = arith.constant 0 : i32
      %add3A_121 = arith.addi %add3A_120, %add3A_108 : i32
      %get3A_122 = arith.index_cast %add3A_121 : i32 to index
      %get3A_123 = arith.constant 0 : index
      %get3A_124 = tpu.vector_load %arg12[%get3A_122, %get3A_123] {strides = array<i32>} : memref<384x64xf32, #tpu.memory_space<vmem>>, vector<16xf32>,
      %mul3A_125 = arith.mulf %get3A_124, %get3A_110 : vector<16xf32>
      %add3A_126 = arith.constant 0 : i32
      %add3A_127 = arith.addi %add3A_126, %add3A_108 : i32
      %get3A_128 = arith.index_cast %add3A_127 : i32 to index
      %get3A_129 = arith.constant 16 : index
      %get3A_130 = tpu.vector_load %arg12[%get3A_128, %get3A_129] {strides = array<i32>} : memref<384x64xf32, #tpu.memory_space<vmem>>, vector<16xf32>,
      %mul3A_131 = arith.mulf %get3A_130, %get3A_113 : vector<16xf32>
      %add3A_132 = arith.addf %mul3A_125, %mul3A_131 : vector<16xf32>
      %add3A_133 = arith.constant 0 : i32
      %add3A_134 = arith.addi %add3A_133, %add3A_108 : i32
      %get3A_135 = arith.index_cast %add3A_134 : i32 to index
      %get3A_136 = arith.constant 32 : index
      %get3A_137 = tpu.vector_load %arg12[%get3A_135, %get3A_136] {strides = array<i32>} : memref<384x64xf32, #tpu.memory_space<vmem>>, vector<16xf32>,
      %mul3A_138 = arith.mulf %get3A_137, %get3A_116 : vector<16xf32>
      %add3A_139 = arith.addf %add3A_132, %mul3A_138 : vector<16xf32>
      %add3A_140 = arith.constant 0 : i32
      %add3A_141 = arith.addi %add3A_140, %add3A_108 : i32
      %get3A_142 = arith.index_cast %add3A_141 : i32 to index
      %get3A_143 = arith.constant 48 : index
      %get3A_144 = tpu.vector_load %arg12[%get3A_142, %get3A_143] {strides = array<i32>} : memref<384x64xf32, #tpu.memory_space<vmem>>, vector<16xf32>,
      %mul3A_145 = arith.mulf %get3A_144, %get3A_119 : vector<16xf32>
      %add3A_146 = arith.addf %add3A_139, %mul3A_145 : vector<16xf32>
      %reduce_sum3A = arith.constant true
      %reduce_sum3A_147 = vector.broadcast %reduce_sum3A : i1 to vector<16xi1>
      %reduce_sum3A_148 = tpu.scan <sum>, %add3A_146 masked %reduce_sum3A_147 : vector<16xf32>, vector<16xi1> -> vector<16xf32>
      %reduce_sum3A_149 = vector.extract %reduce_sum3A_148[15] : f32 from vector<16xf32>
      %add3A_150 = arith.constant 128 : i32
      %add3A_151 = arith.addi %add3A_150, %add3A_108 : i32
      %get3A_152 = arith.index_cast %add3A_151 : i32 to index
      %get3A_153 = arith.constant 0 : index
      %get3A_154 = tpu.vector_load %arg12[%get3A_152, %get3A_153] {strides = array<i32>} : memref<384x64xf32, #tpu.memory_space<vmem>>, vector<16xf32>,
      %mul3A_155 = arith.mulf %get3A_154, %get3A_110 : vector<16xf32>
      %add3A_156 = arith.constant 128 : i32
      %add3A_157 = arith.addi %add3A_156, %add3A_108 : i32
      %get3A_158 = arith.index_cast %add3A_157 : i32 to index
      %get3A_159 = arith.constant 16 : index
      %get3A_160 = tpu.vector_load %arg12[%get3A_158, %get3A_159] {strides = array<i32>} : memref<384x64xf32, #tpu.memory_space<vmem>>, vector<16xf32>,
      %mul3A_161 = arith.mulf %get3A_160, %get3A_113 : vector<16xf32>
      %add3A_162 = arith.addf %mul3A_155, %mul3A_161 : vector<16xf32>
      %add3A_163 = arith.constant 128 : i32
      %add3A_164 = arith.addi %add3A_163, %add3A_108 : i32
      %get3A_165 = arith.index_cast %add3A_164 : i32 to index
      %get3A_166 = arith.constant 32 : index
      %get3A_167 = tpu.vector_load %arg12[%get3A_165, %get3A_166] {strides = array<i32>} : memref<384x64xf32, #tpu.memory_space<vmem>>, vector<16xf32>,
      %mul3A_168 = arith.mulf %get3A_167, %get3A_116 : vector<16xf32>
      %add3A_169 = arith.addf %add3A_162, %mul3A_168 : vector<16xf32>
      %add3A_170 = arith.constant 128 : i32
      %add3A_171 = arith.addi %add3A_170, %add3A_108 : i32
      %get3A_172 = arith.index_cast %add3A_171 : i32 to index
      %get3A_173 = arith.constant 48 : index
      %get3A_174 = tpu.vector_load %arg12[%get3A_172, %get3A_173] {strides = array<i32>} : memref<384x64xf32, #tpu.memory_space<vmem>>, vector<16xf32>,
      %mul3A_175 = arith.mulf %get3A_174, %get3A_119 : vector<16xf32>
      %add3A_176 = arith.addf %add3A_169, %mul3A_175 : vector<16xf32>
      %reduce_sum3A_177 = arith.constant true
      %reduce_sum3A_178 = vector.broadcast %reduce_sum3A_177 : i1 to vector<16xi1>
      %reduce_sum3A_179 = tpu.scan <sum>, %add3A_176 masked %reduce_sum3A_178 : vector<16xf32>, vector<16xi1> -> vector<16xf32>
      %reduce_sum3A_180 = vector.extract %reduce_sum3A_179[15] : f32 from vector<16xf32>
      %add3A_181 = arith.constant 256 : i32
      %add3A_182 = arith.addi %add3A_181, %add3A_108 : i32
      %get3A_183 = arith.index_cast %add3A_182 : i32 to index
      %get3A_184 = arith.constant 0 : index
      %get3A_185 = tpu.vector_load %arg12[%get3A_183, %get3A_184] {strides = array<i32>} : memref<384x64xf32, #tpu.memory_space<vmem>>, vector<16xf32>,
      %mul3A_186 = arith.mulf %get3A_185, %get3A_110 : vector<16xf32>
      %add3A_187 = arith.constant 256 : i32
      %add3A_188 = arith.addi %add3A_187, %add3A_108 : i32
      %get3A_189 = arith.index_cast %add3A_188 : i32 to index
      %get3A_190 = arith.constant 16 : index
      %get3A_191 = tpu.vector_load %arg12[%get3A_189, %get3A_190] {strides = array<i32>} : memref<384x64xf32, #tpu.memory_space<vmem>>, vector<16xf32>,
      %mul3A_192 = arith.mulf %get3A_191, %get3A_113 : vector<16xf32>
      %add3A_193 = arith.addf %mul3A_186, %mul3A_192 : vector<16xf32>
      %add3A_194 = arith.constant 256 : i32
      %add3A_195 = arith.addi %add3A_194, %add3A_108 : i32
      %get3A_196 = arith.index_cast %add3A_195 : i32 to index
      %get3A_197 = arith.constant 32 : index
      %get3A_198 = tpu.vector_load %arg12[%get3A_196, %get3A_197] {strides = array<i32>} : memref<384x64xf32, #tpu.memory_space<vmem>>, vector<16xf32>,
      %mul3A_199 = arith.mulf %get3A_198, %get3A_116 : vector<16xf32>
      %add3A_200 = arith.addf %add3A_193, %mul3A_199 : vector<16xf32>
      %add3A_201 = arith.constant 256 : i32
      %add3A_202 = arith.addi %add3A_201, %add3A_108 : i32
      %get3A_203 = arith.index_cast %add3A_202 : i32 to index
      %get3A_204 = arith.constant 48 : index
      %get3A_205 = tpu.vector_load %arg12[%get3A_203, %get3A_204] {strides = array<i32>} : memref<384x64xf32, #tpu.memory_space<vmem>>, vector<16xf32>,
      %mul3A_206 = arith.mulf %get3A_205, %get3A_119 : vector<16xf32>
      %add3A_207 = arith.addf %add3A_200, %mul3A_206 : vector<16xf32>
      %reduce_sum3A_208 = arith.constant true
      %reduce_sum3A_209 = vector.broadcast %reduce_sum3A_208 : i1 to vector<16xi1>
      %reduce_sum3A_210 = tpu.scan <sum>, %add3A_207 masked %reduce_sum3A_209 : vector<16xf32>, vector<16xi1> -> vector<16xf32>
      %reduce_sum3A_211 = vector.extract %reduce_sum3A_210[15] : f32 from vector<16xf32>
      %max3A = arith.maximumf %reduce_sum3A_180, %reduce_sum3A_211 : f32
      %max3A_212 = arith.maximumf %reduce_sum3A_149, %max3A : f32
      %sub3A = arith.subf %reduce_sum3A_149, %max3A_212 : f32
      %broadcast_in_dim3A = vector.broadcast %sub3A : f32 to vector<16xf32>
      %exp3A = math.exp %broadcast_in_dim3A : vector<16xf32>
      %sub3A_213 = arith.subf %reduce_sum3A_180, %max3A_212 : f32
      %broadcast_in_dim3A_214 = vector.broadcast %sub3A_213 : f32 to vector<16xf32>
      %exp3A_215 = math.exp %broadcast_in_dim3A_214 : vector<16xf32>
      %sub3A_216 = arith.subf %reduce_sum3A_211, %max3A_212 : f32
      %broadcast_in_dim3A_217 = vector.broadcast %sub3A_216 : f32 to vector<16xf32>
      %exp3A_218 = math.exp %broadcast_in_dim3A_217 : vector<16xf32>
      %add3A_219 = arith.addf %exp3A, %exp3A_215 : vector<16xf32>
      %add3A_220 = arith.addf %add3A_219, %exp3A_218 : vector<16xf32>
      %get3A_221 = arith.index_cast %add3A_108 : i32 to index
      %get3A_222 = arith.constant 0 : index
      %get3A_223 = tpu.vector_load %arg10[%get3A_221, %get3A_222] {strides = array<i32>} : memref<384x64xf32, #tpu.memory_space<vmem>>, vector<16xf32>,
      %mul3A_224 = arith.mulf %exp3A, %get3A_223 : vector<16xf32>
      %add3A_225 = arith.constant 128 : i32
      %add3A_226 = arith.addi %add3A_225, %add3A_108 : i32
      %get3A_227 = arith.index_cast %add3A_226 : i32 to index
      %get3A_228 = arith.constant 0 : index
      %get3A_229 = tpu.vector_load %arg10[%get3A_227, %get3A_228] {strides = array<i32>} : memref<384x64xf32, #tpu.memory_space<vmem>>, vector<16xf32>,
      %mul3A_230 = arith.mulf %exp3A_215, %get3A_229 : vector<16xf32>
      %add3A_231 = arith.addf %mul3A_224, %mul3A_230 : vector<16xf32>
      %add3A_232 = arith.constant 256 : i32
      %add3A_233 = arith.addi %add3A_232, %add3A_108 : i32
      %get3A_234 = arith.index_cast %add3A_233 : i32 to index
      %get3A_235 = arith.constant 0 : index
      %get3A_236 = tpu.vector_load %arg10[%get3A_234, %get3A_235] {strides = array<i32>} : memref<384x64xf32, #tpu.memory_space<vmem>>, vector<16xf32>,
      %mul3A_237 = arith.mulf %exp3A_218, %get3A_236 : vector<16xf32>
      %add3A_238 = arith.addf %add3A_231, %mul3A_237 : vector<16xf32>
      %div3A = arith.divf %add3A_238, %add3A_220 : vector<16xf32>
      %swap3A = arith.index_cast %add3A_108 : i32 to index
      %swap3A_239 = arith.constant 0 : index
      %swap3A_240 = tpu.vector_load %arg15[%swap3A, %swap3A_239] {strides = array<i32>} : memref<128x64xf32, #tpu.memory_space<vmem>>, vector<16xf32>,
      tpu.vector_store %arg15[%swap3A, %swap3A_239], %div3A {strides = array<i32>} : memref<128x64xf32, #tpu.memory_space<vmem>>, vector<16xf32>,
      %get3A_241 = arith.index_cast %add3A_108 : i32 to index
      %get3A_242 = arith.constant 16 : index
      %get3A_243 = tpu.vector_load %arg10[%get3A_241, %get3A_242] {strides = array<i32>} : memref<384x64xf32, #tpu.memory_space<vmem>>, vector<16xf32>,
      %mul3A_244 = arith.mulf %exp3A, %get3A_243 : vector<16xf32>
      %add3A_245 = arith.constant 128 : i32
      %add3A_246 = arith.addi %add3A_245, %add3A_108 : i32
      %get3A_247 = arith.index_cast %add3A_246 : i32 to index
      %get3A_248 = arith.constant 16 : index
      %get3A_249 = tpu.vector_load %arg10[%get3A_247, %get3A_248] {strides = array<i32>} : memref<384x64xf32, #tpu.memory_space<vmem>>, vector<16xf32>,
      %mul3A_250 = arith.mulf %exp3A_215, %get3A_249 : vector<16xf32>
      %add3A_251 = arith.addf %mul3A_244, %mul3A_250 : vector<16xf32>
      %add3A_252 = arith.constant 256 : i32
      %add3A_253 = arith.addi %add3A_252, %add3A_108 : i32
      %get3A_254 = arith.index_cast %add3A_253 : i32 to index
      %get3A_255 = arith.constant 16 : index
      %get3A_256 = tpu.vector_load %arg10[%get3A_254, %get3A_255] {strides = array<i32>} : memref<384x64xf32, #tpu.memory_space<vmem>>, vector<16xf32>,
      %mul3A_257 = arith.mulf %exp3A_218, %get3A_256 : vector<16xf32>
      %add3A_258 = arith.addf %add3A_251, %mul3A_257 : vector<16xf32>
      %div3A_259 = arith.divf %add3A_258, %add3A_220 : vector<16xf32>
      %swap3A_260 = arith.index_cast %add3A_108 : i32 to index
      %swap3A_261 = arith.constant 16 : index
      %swap3A_262 = tpu.vector_load %arg15[%swap3A_260, %swap3A_261] {strides = array<i32>} : memref<128x64xf32, #tpu.memory_space<vmem>>, vector<16xf32>,
      tpu.vector_store %arg15[%swap3A_260, %swap3A_261], %div3A_259 {strides = array<i32>} : memref<128x64xf32, #tpu.memory_space<vmem>>, vector<16xf32>,
      %get3A_263 = arith.index_cast %add3A_108 : i32 to index
      %get3A_264 = arith.constant 32 : index
      %get3A_265 = tpu.vector_load %arg10[%get3A_263, %get3A_264] {strides = array<i32>} : memref<384x64xf32, #tpu.memory_space<vmem>>, vector<16xf32>,
      %mul3A_266 = arith.mulf %exp3A, %get3A_265 : vector<16xf32>
      %add3A_267 = arith.constant 128 : i32
      %add3A_268 = arith.addi %add3A_267, %add3A_108 : i32
      %get3A_269 = arith.index_cast %add3A_268 : i32 to index
      %get3A_270 = arith.constant 32 : index
      %get3A_271 = tpu.vector_load %arg10[%get3A_269, %get3A_270] {strides = array<i32>} : memref<384x64xf32, #tpu.memory_space<vmem>>, vector<16xf32>,
      %mul3A_272 = arith.mulf %exp3A_215, %get3A_271 : vector<16xf32>
      %add3A_273 = arith.addf %mul3A_266, %mul3A_272 : vector<16xf32>
      %add3A_274 = arith.constant 256 : i32
      %add3A_275 = arith.addi %add3A_274, %add3A_108 : i32
      %get3A_276 = arith.index_cast %add3A_275 : i32 to index
      %get3A_277 = arith.constant 32 : index
      %get3A_278 = tpu.vector_load %arg10[%get3A_276, %get3A_277] {strides = array<i32>} : memref<384x64xf32, #tpu.memory_space<vmem>>, vector<16xf32>,
      %mul3A_279 = arith.mulf %exp3A_218, %get3A_278 : vector<16xf32>
      %add3A_280 = arith.addf %add3A_273, %mul3A_279 : vector<16xf32>
      %div3A_281 = arith.divf %add3A_280, %add3A_220 : vector<16xf32>
      %swap3A_282 = arith.index_cast %add3A_108 : i32 to index
      %swap3A_283 = arith.constant 32 : index
      %swap3A_284 = tpu.vector_load %arg15[%swap3A_282, %swap3A_283] {strides = array<i32>} : memref<128x64xf32, #tpu.memory_space<vmem>>, vector<16xf32>,
      tpu.vector_store %arg15[%swap3A_282, %swap3A_283], %div3A_281 {strides = array<i32>} : memref<128x64xf32, #tpu.memory_space<vmem>>, vector<16xf32>,
      %get3A_285 = arith.index_cast %add3A_108 : i32 to index
      %get3A_286 = arith.constant 48 : index
      %get3A_287 = tpu.vector_load %arg10[%get3A_285, %get3A_286] {strides = array<i32>} : memref<384x64xf32, #tpu.memory_space<vmem>>, vector<16xf32>,
      %mul3A_288 = arith.mulf %exp3A, %get3A_287 : vector<16xf32>
      %add3A_289 = arith.constant 128 : i32
      %add3A_290 = arith.addi %add3A_289, %add3A_108 : i32
      %get3A_291 = arith.index_cast %add3A_290 : i32 to index
      %get3A_292 = arith.constant 48 : index
      %get3A_293 = tpu.vector_load %arg10[%get3A_291, %get3A_292] {strides = array<i32>} : memref<384x64xf32, #tpu.memory_space<vmem>>, vector<16xf32>,
      %mul3A_294 = arith.mulf %exp3A_215, %get3A_293 : vector<16xf32>
      %add3A_295 = arith.addf %mul3A_288, %mul3A_294 : vector<16xf32>
      %add3A_296 = arith.constant 256 : i32
      %add3A_297 = arith.addi %add3A_296, %add3A_108 : i32
      %get3A_298 = arith.index_cast %add3A_297 : i32 to index
      %get3A_299 = arith.constant 48 : index
      %get3A_300 = tpu.vector_load %arg10[%get3A_298, %get3A_299] {strides = array<i32>} : memref<384x64xf32, #tpu.memory_space<vmem>>, vector<16xf32>,
      %mul3A_301 = arith.mulf %exp3A_218, %get3A_300 : vector<16xf32>
      %add3A_302 = arith.addf %add3A_295, %mul3A_301 : vector<16xf32>
      %div3A_303 = arith.divf %add3A_302, %add3A_220 : vector<16xf32>
      %swap3A_304 = arith.index_cast %add3A_108 : i32 to index
      %swap3A_305 = arith.constant 48 : index
      %swap3A_306 = tpu.vector_load %arg15[%swap3A_304, %swap3A_305] {strides = array<i32>} : memref<128x64xf32, #tpu.memory_space<vmem>>, vector<16xf32>,
      tpu.vector_store %arg15[%swap3A_304, %swap3A_305], %div3A_303 {strides = array<i32>} : memref<128x64xf32, #tpu.memory_space<vmem>>, vector<16xf32>,
    }
    %scan3A_34 = arith.constant 128 : i32
    %add3A_35 = arith.constant 0 : i32
    %add3A_36 = arith.addi %mul3A_2, %add3A_35 : i32
    "tpu.region"() ({
      %run_scoped3A = tpu.sem_alloc : memref<!tpu.dma_semaphore, #tpu.memory_space<semaphore_mem>>
      %dma_start3A_104 = arith.constant 0 : i32
      %dma_start3A_105 = tpu.memref_slice %arg6[%add3A_36, %dma_start3A_104] : memref<16384x64xf32, #tpu.memory_space<hbm>> -> memref<128x64xf32, #tpu.memory_space<hbm>>
      %dma_start3A_106 = arith.constant 0 : i32
      %dma_start3A_107 = tpu.memref_slice %arg6[%add3A_36, %dma_start3A_106] : memref<16384x64xf32, #tpu.memory_space<hbm>> -> memref<128x64xf32, #tpu.memory_space<hbm>>
      tpu.enqueue_dma source(%arg15 : memref<128x64xf32, #tpu.memory_space<vmem>>) target(%dma_start3A_107 : memref<128x64xf32, #tpu.memory_space<hbm>>) target_semaphore(%run_scoped3A : memref<!tpu.dma_semaphore, #tpu.memory_space<semaphore_mem>>)
      %dma_wait3A_108 = arith.constant 0 : i32
      %dma_wait3A_109 = tpu.memref_slice %arg6[%add3A_36, %dma_wait3A_108] : memref<16384x64xf32, #tpu.memory_space<hbm>> -> memref<128x64xf32, #tpu.memory_space<hbm>>
      %dma_wait3A_110 = arith.constant 0 : i32
      %dma_wait3A_111 = tpu.memref_slice %arg6[%add3A_36, %dma_wait3A_110] : memref<16384x64xf32, #tpu.memory_space<hbm>> -> memref<128x64xf32, #tpu.memory_space<hbm>>
      tpu.wait_dma2 semaphore(%run_scoped3A : memref<!tpu.dma_semaphore, #tpu.memory_space<semaphore_mem>>) src(%arg15 : memref<128x64xf32, #tpu.memory_space<vmem>>) dst(%dma_wait3A_111 : memref<128x64xf32, #tpu.memory_space<hbm>>)
      tpu.yield
    }) : () -> ()
    %scan3A_37 = arith.constant 0 : i32
    %scan3A_38 = arith.constant 8 : i32
    %scan3A_39 = arith.addi %scan3A_37, %scan3A_38 : i32
    %scan3A_40 = arith.constant 1 : i32
    scf.for %scan3A_104 = %scan3A_37 to %scan3A_39 step %scan3A_40  : i32 {
      %mul3A_105 = arith.constant 16 : i32
      %mul3A_106 = arith.muli %scan3A_104, %mul3A_105 : i32
      %add3A_107 = arith.constant 0 : i32
      %add3A_108 = arith.addi %add3A_107, %mul3A_106 : i32
      %add3A_109 = arith.constant 256 : i32
      %add3A_110 = arith.addi %add3A_109, %add3A_108 : i32
      %get3A = arith.index_cast %add3A_110 : i32 to index
      %get3A_111 = tpu.vector_load %arg7[%get3A] {strides = array<i32>} : memref<512xi32, #tpu.memory_space<vmem>>, vector<16xi32>,
      %mul3A_112 = arith.constant 3 : i32
      %mul3A_113 = vector.broadcast %mul3A_112 : i32 to vector<16xi32>
      %mul3A_114 = arith.muli %get3A_111, %mul3A_113 : vector<16xi32>
      %swap3A = arith.index_cast %add3A_108 : i32 to index
      %swap3A_115 = tpu.vector_load %arg8[%swap3A] {strides = array<i32>} : memref<384xi32, #tpu.memory_space<vmem>>, vector<16xi32>,
      tpu.vector_store %arg8[%swap3A], %mul3A_114 {strides = array<i32>} : memref<384xi32, #tpu.memory_space<vmem>>, vector<16xi32>,
      %add3A_116 = arith.constant 1 : i32
      %add3A_117 = vector.broadcast %add3A_116 : i32 to vector<16xi32>
      %add3A_118 = arith.addi %mul3A_114, %add3A_117 : vector<16xi32>
      %add3A_119 = arith.constant 128 : i32
      %add3A_120 = arith.addi %add3A_119, %add3A_108 : i32
      %swap3A_121 = arith.index_cast %add3A_120 : i32 to index
      %swap3A_122 = tpu.vector_load %arg8[%swap3A_121] {strides = array<i32>} : memref<384xi32, #tpu.memory_space<vmem>>, vector<16xi32>,
      tpu.vector_store %arg8[%swap3A_121], %add3A_118 {strides = array<i32>} : memref<384xi32, #tpu.memory_space<vmem>>, vector<16xi32>,
      %add3A_123 = arith.constant 2 : i32
      %add3A_124 = vector.broadcast %add3A_123 : i32 to vector<16xi32>
      %add3A_125 = arith.addi %mul3A_114, %add3A_124 : vector<16xi32>
      %add3A_126 = arith.constant 256 : i32
      %add3A_127 = arith.addi %add3A_126, %add3A_108 : i32
      %swap3A_128 = arith.index_cast %add3A_127 : i32 to index
      %swap3A_129 = tpu.vector_load %arg8[%swap3A_128] {strides = array<i32>} : memref<384xi32, #tpu.memory_space<vmem>>, vector<16xi32>,
      tpu.vector_store %arg8[%swap3A_128], %add3A_125 {strides = array<i32>} : memref<384xi32, #tpu.memory_space<vmem>>, vector<16xi32>,
    }
    %scan3A_41 = arith.constant 8 : i32
    %dma_start3A_42 = arith.constant 0 : i32
    %dma_start3A_43 = arith.constant 0 : i32
    %dma_start3A_44 = tpu.memref_slice %arg2[%dma_start3A_42, %dma_start3A_43] : memref<300000x64xf32, #tpu.memory_space<hbm>> -> memref<300000x64xf32, #tpu.memory_space<hbm>>
    tpu.enqueue_indirect_dma source(%dma_start3A_44 : memref<300000x64xf32, #tpu.memory_space<hbm>>) target(%arg10 : memref<384x64xf32, #tpu.memory_space<vmem>>) offsets(%arg8 : memref<384xi32, #tpu.memory_space<vmem>>) semaphore(%arg16 : memref<!tpu.dma_semaphore, #tpu.memory_space<semaphore_mem>>)
    %dma_start3A_45 = arith.constant 0 : i32
    %dma_start3A_46 = arith.constant 0 : i32
    %dma_start3A_47 = tpu.memref_slice %arg3[%dma_start3A_45, %dma_start3A_46] : memref<300000x64xf32, #tpu.memory_space<hbm>> -> memref<300000x64xf32, #tpu.memory_space<hbm>>
    tpu.enqueue_indirect_dma source(%dma_start3A_47 : memref<300000x64xf32, #tpu.memory_space<hbm>>) target(%arg12 : memref<384x64xf32, #tpu.memory_space<vmem>>) offsets(%arg8 : memref<384xi32, #tpu.memory_space<vmem>>) semaphore(%arg18 : memref<!tpu.dma_semaphore, #tpu.memory_space<semaphore_mem>>)
    %add3A_48 = arith.constant 128 : i32
    %add3A_49 = arith.addi %mul3A_2, %add3A_48 : i32
    "tpu.region"() ({
      %run_scoped3A = tpu.sem_alloc : memref<!tpu.dma_semaphore, #tpu.memory_space<semaphore_mem>>
      %dma_start3A_104 = arith.constant 0 : i32
      %dma_start3A_105 = tpu.memref_slice %arg5[%add3A_49, %dma_start3A_104] : memref<16384x64xf32, #tpu.memory_space<hbm>> -> memref<128x64xf32, #tpu.memory_space<hbm>>
      %dma_start3A_106 = arith.constant 0 : i32
      %dma_start3A_107 = tpu.memref_slice %arg5[%add3A_49, %dma_start3A_106] : memref<16384x64xf32, #tpu.memory_space<hbm>> -> memref<128x64xf32, #tpu.memory_space<hbm>>
      tpu.enqueue_dma source(%dma_start3A_107 : memref<128x64xf32, #tpu.memory_space<hbm>>) target(%arg14 : memref<128x64xf32, #tpu.memory_space<vmem>>) target_semaphore(%run_scoped3A : memref<!tpu.dma_semaphore, #tpu.memory_space<semaphore_mem>>)
      %dma_wait3A_108 = arith.constant 0 : i32
      %dma_wait3A_109 = tpu.memref_slice %arg5[%add3A_49, %dma_wait3A_108] : memref<16384x64xf32, #tpu.memory_space<hbm>> -> memref<128x64xf32, #tpu.memory_space<hbm>>
      %dma_wait3A_110 = arith.constant 0 : i32
      %dma_wait3A_111 = tpu.memref_slice %arg5[%add3A_49, %dma_wait3A_110] : memref<16384x64xf32, #tpu.memory_space<hbm>> -> memref<128x64xf32, #tpu.memory_space<hbm>>
      tpu.wait_dma2 semaphore(%run_scoped3A : memref<!tpu.dma_semaphore, #tpu.memory_space<semaphore_mem>>) src(%dma_wait3A_111 : memref<128x64xf32, #tpu.memory_space<hbm>>) dst(%arg14 : memref<128x64xf32, #tpu.memory_space<vmem>>)
      tpu.yield
    }) : () -> ()
    %dma_wait3A_50 = arith.constant 0 : i32
    %dma_wait3A_51 = arith.constant 0 : i32
    %dma_wait3A_52 = tpu.memref_slice %arg3[%dma_wait3A_50, %dma_wait3A_51] : memref<300000x64xf32, #tpu.memory_space<hbm>> -> memref<300000x64xf32, #tpu.memory_space<hbm>>
    tpu.wait_indirect_dma semaphore(%arg19 : memref<!tpu.dma_semaphore, #tpu.memory_space<semaphore_mem>>) src(%dma_wait3A_52 : memref<300000x64xf32, #tpu.memory_space<hbm>>) dst(%arg13 : memref<384x64xf32, #tpu.memory_space<vmem>>)
    %dma_wait3A_53 = arith.constant 0 : i32
    %dma_wait3A_54 = arith.constant 0 : i32
    %dma_wait3A_55 = tpu.memref_slice %arg2[%dma_wait3A_53, %dma_wait3A_54] : memref<300000x64xf32, #tpu.memory_space<hbm>> -> memref<300000x64xf32, #tpu.memory_space<hbm>>
    tpu.wait_indirect_dma semaphore(%arg17 : memref<!tpu.dma_semaphore, #tpu.memory_space<semaphore_mem>>) src(%dma_wait3A_55 : memref<300000x64xf32, #tpu.memory_space<hbm>>) dst(%arg11 : memref<384x64xf32, #tpu.memory_space<vmem>>)
    %scan3A_56 = arith.constant 0 : i32
    %scan3A_57 = arith.constant 128 : i32
    %scan3A_58 = arith.addi %scan3A_56, %scan3A_57 : i32
    %scan3A_59 = arith.constant 1 : i32
    scf.for %scan3A_104 = %scan3A_56 to %scan3A_58 step %scan3A_59  : i32 {
      %mul3A_105 = arith.constant 1 : i32
      %mul3A_106 = arith.muli %scan3A_104, %mul3A_105 : i32
      %add3A_107 = arith.constant 0 : i32
      %add3A_108 = arith.addi %add3A_107, %mul3A_106 : i32
      %get3A = arith.index_cast %add3A_108 : i32 to index
      %get3A_109 = arith.constant 0 : index
      %get3A_110 = tpu.vector_load %arg14[%get3A, %get3A_109] {strides = array<i32>} : memref<128x64xf32, #tpu.memory_space<vmem>>, vector<16xf32>,
      %get3A_111 = arith.index_cast %add3A_108 : i32 to index
      %get3A_112 = arith.constant 16 : index
      %get3A_113 = tpu.vector_load %arg14[%get3A_111, %get3A_112] {strides = array<i32>} : memref<128x64xf32, #tpu.memory_space<vmem>>, vector<16xf32>,
      %get3A_114 = arith.index_cast %add3A_108 : i32 to index
      %get3A_115 = arith.constant 32 : index
      %get3A_116 = tpu.vector_load %arg14[%get3A_114, %get3A_115] {strides = array<i32>} : memref<128x64xf32, #tpu.memory_space<vmem>>, vector<16xf32>,
      %get3A_117 = arith.index_cast %add3A_108 : i32 to index
      %get3A_118 = arith.constant 48 : index
      %get3A_119 = tpu.vector_load %arg14[%get3A_117, %get3A_118] {strides = array<i32>} : memref<128x64xf32, #tpu.memory_space<vmem>>, vector<16xf32>,
      %add3A_120 = arith.constant 0 : i32
      %add3A_121 = arith.addi %add3A_120, %add3A_108 : i32
      %get3A_122 = arith.index_cast %add3A_121 : i32 to index
      %get3A_123 = arith.constant 0 : index
      %get3A_124 = tpu.vector_load %arg13[%get3A_122, %get3A_123] {strides = array<i32>} : memref<384x64xf32, #tpu.memory_space<vmem>>, vector<16xf32>,
      %mul3A_125 = arith.mulf %get3A_124, %get3A_110 : vector<16xf32>
      %add3A_126 = arith.constant 0 : i32
      %add3A_127 = arith.addi %add3A_126, %add3A_108 : i32
      %get3A_128 = arith.index_cast %add3A_127 : i32 to index
      %get3A_129 = arith.constant 16 : index
      %get3A_130 = tpu.vector_load %arg13[%get3A_128, %get3A_129] {strides = array<i32>} : memref<384x64xf32, #tpu.memory_space<vmem>>, vector<16xf32>,
      %mul3A_131 = arith.mulf %get3A_130, %get3A_113 : vector<16xf32>
      %add3A_132 = arith.addf %mul3A_125, %mul3A_131 : vector<16xf32>
      %add3A_133 = arith.constant 0 : i32
      %add3A_134 = arith.addi %add3A_133, %add3A_108 : i32
      %get3A_135 = arith.index_cast %add3A_134 : i32 to index
      %get3A_136 = arith.constant 32 : index
      %get3A_137 = tpu.vector_load %arg13[%get3A_135, %get3A_136] {strides = array<i32>} : memref<384x64xf32, #tpu.memory_space<vmem>>, vector<16xf32>,
      %mul3A_138 = arith.mulf %get3A_137, %get3A_116 : vector<16xf32>
      %add3A_139 = arith.addf %add3A_132, %mul3A_138 : vector<16xf32>
      %add3A_140 = arith.constant 0 : i32
      %add3A_141 = arith.addi %add3A_140, %add3A_108 : i32
      %get3A_142 = arith.index_cast %add3A_141 : i32 to index
      %get3A_143 = arith.constant 48 : index
      %get3A_144 = tpu.vector_load %arg13[%get3A_142, %get3A_143] {strides = array<i32>} : memref<384x64xf32, #tpu.memory_space<vmem>>, vector<16xf32>,
      %mul3A_145 = arith.mulf %get3A_144, %get3A_119 : vector<16xf32>
      %add3A_146 = arith.addf %add3A_139, %mul3A_145 : vector<16xf32>
      %reduce_sum3A = arith.constant true
      %reduce_sum3A_147 = vector.broadcast %reduce_sum3A : i1 to vector<16xi1>
      %reduce_sum3A_148 = tpu.scan <sum>, %add3A_146 masked %reduce_sum3A_147 : vector<16xf32>, vector<16xi1> -> vector<16xf32>
      %reduce_sum3A_149 = vector.extract %reduce_sum3A_148[15] : f32 from vector<16xf32>
      %add3A_150 = arith.constant 128 : i32
      %add3A_151 = arith.addi %add3A_150, %add3A_108 : i32
      %get3A_152 = arith.index_cast %add3A_151 : i32 to index
      %get3A_153 = arith.constant 0 : index
      %get3A_154 = tpu.vector_load %arg13[%get3A_152, %get3A_153] {strides = array<i32>} : memref<384x64xf32, #tpu.memory_space<vmem>>, vector<16xf32>,
      %mul3A_155 = arith.mulf %get3A_154, %get3A_110 : vector<16xf32>
      %add3A_156 = arith.constant 128 : i32
      %add3A_157 = arith.addi %add3A_156, %add3A_108 : i32
      %get3A_158 = arith.index_cast %add3A_157 : i32 to index
      %get3A_159 = arith.constant 16 : index
      %get3A_160 = tpu.vector_load %arg13[%get3A_158, %get3A_159] {strides = array<i32>} : memref<384x64xf32, #tpu.memory_space<vmem>>, vector<16xf32>,
      %mul3A_161 = arith.mulf %get3A_160, %get3A_113 : vector<16xf32>
      %add3A_162 = arith.addf %mul3A_155, %mul3A_161 : vector<16xf32>
      %add3A_163 = arith.constant 128 : i32
      %add3A_164 = arith.addi %add3A_163, %add3A_108 : i32
      %get3A_165 = arith.index_cast %add3A_164 : i32 to index
      %get3A_166 = arith.constant 32 : index
      %get3A_167 = tpu.vector_load %arg13[%get3A_165, %get3A_166] {strides = array<i32>} : memref<384x64xf32, #tpu.memory_space<vmem>>, vector<16xf32>,
      %mul3A_168 = arith.mulf %get3A_167, %get3A_116 : vector<16xf32>
      %add3A_169 = arith.addf %add3A_162, %mul3A_168 : vector<16xf32>
      %add3A_170 = arith.constant 128 : i32
      %add3A_171 = arith.addi %add3A_170, %add3A_108 : i32
      %get3A_172 = arith.index_cast %add3A_171 : i32 to index
      %get3A_173 = arith.constant 48 : index
      %get3A_174 = tpu.vector_load %arg13[%get3A_172, %get3A_173] {strides = array<i32>} : memref<384x64xf32, #tpu.memory_space<vmem>>, vector<16xf32>,
      %mul3A_175 = arith.mulf %get3A_174, %get3A_119 : vector<16xf32>
      %add3A_176 = arith.addf %add3A_169, %mul3A_175 : vector<16xf32>
      %reduce_sum3A_177 = arith.constant true
      %reduce_sum3A_178 = vector.broadcast %reduce_sum3A_177 : i1 to vector<16xi1>
      %reduce_sum3A_179 = tpu.scan <sum>, %add3A_176 masked %reduce_sum3A_178 : vector<16xf32>, vector<16xi1> -> vector<16xf32>
      %reduce_sum3A_180 = vector.extract %reduce_sum3A_179[15] : f32 from vector<16xf32>
      %add3A_181 = arith.constant 256 : i32
      %add3A_182 = arith.addi %add3A_181, %add3A_108 : i32
      %get3A_183 = arith.index_cast %add3A_182 : i32 to index
      %get3A_184 = arith.constant 0 : index
      %get3A_185 = tpu.vector_load %arg13[%get3A_183, %get3A_184] {strides = array<i32>} : memref<384x64xf32, #tpu.memory_space<vmem>>, vector<16xf32>,
      %mul3A_186 = arith.mulf %get3A_185, %get3A_110 : vector<16xf32>
      %add3A_187 = arith.constant 256 : i32
      %add3A_188 = arith.addi %add3A_187, %add3A_108 : i32
      %get3A_189 = arith.index_cast %add3A_188 : i32 to index
      %get3A_190 = arith.constant 16 : index
      %get3A_191 = tpu.vector_load %arg13[%get3A_189, %get3A_190] {strides = array<i32>} : memref<384x64xf32, #tpu.memory_space<vmem>>, vector<16xf32>,
      %mul3A_192 = arith.mulf %get3A_191, %get3A_113 : vector<16xf32>
      %add3A_193 = arith.addf %mul3A_186, %mul3A_192 : vector<16xf32>
      %add3A_194 = arith.constant 256 : i32
      %add3A_195 = arith.addi %add3A_194, %add3A_108 : i32
      %get3A_196 = arith.index_cast %add3A_195 : i32 to index
      %get3A_197 = arith.constant 32 : index
      %get3A_198 = tpu.vector_load %arg13[%get3A_196, %get3A_197] {strides = array<i32>} : memref<384x64xf32, #tpu.memory_space<vmem>>, vector<16xf32>,
      %mul3A_199 = arith.mulf %get3A_198, %get3A_116 : vector<16xf32>
      %add3A_200 = arith.addf %add3A_193, %mul3A_199 : vector<16xf32>
      %add3A_201 = arith.constant 256 : i32
      %add3A_202 = arith.addi %add3A_201, %add3A_108 : i32
      %get3A_203 = arith.index_cast %add3A_202 : i32 to index
      %get3A_204 = arith.constant 48 : index
      %get3A_205 = tpu.vector_load %arg13[%get3A_203, %get3A_204] {strides = array<i32>} : memref<384x64xf32, #tpu.memory_space<vmem>>, vector<16xf32>,
      %mul3A_206 = arith.mulf %get3A_205, %get3A_119 : vector<16xf32>
      %add3A_207 = arith.addf %add3A_200, %mul3A_206 : vector<16xf32>
      %reduce_sum3A_208 = arith.constant true
      %reduce_sum3A_209 = vector.broadcast %reduce_sum3A_208 : i1 to vector<16xi1>
      %reduce_sum3A_210 = tpu.scan <sum>, %add3A_207 masked %reduce_sum3A_209 : vector<16xf32>, vector<16xi1> -> vector<16xf32>
      %reduce_sum3A_211 = vector.extract %reduce_sum3A_210[15] : f32 from vector<16xf32>
      %max3A = arith.maximumf %reduce_sum3A_180, %reduce_sum3A_211 : f32
      %max3A_212 = arith.maximumf %reduce_sum3A_149, %max3A : f32
      %sub3A = arith.subf %reduce_sum3A_149, %max3A_212 : f32
      %broadcast_in_dim3A = vector.broadcast %sub3A : f32 to vector<16xf32>
      %exp3A = math.exp %broadcast_in_dim3A : vector<16xf32>
      %sub3A_213 = arith.subf %reduce_sum3A_180, %max3A_212 : f32
      %broadcast_in_dim3A_214 = vector.broadcast %sub3A_213 : f32 to vector<16xf32>
      %exp3A_215 = math.exp %broadcast_in_dim3A_214 : vector<16xf32>
      %sub3A_216 = arith.subf %reduce_sum3A_211, %max3A_212 : f32
      %broadcast_in_dim3A_217 = vector.broadcast %sub3A_216 : f32 to vector<16xf32>
      %exp3A_218 = math.exp %broadcast_in_dim3A_217 : vector<16xf32>
      %add3A_219 = arith.addf %exp3A, %exp3A_215 : vector<16xf32>
      %add3A_220 = arith.addf %add3A_219, %exp3A_218 : vector<16xf32>
      %get3A_221 = arith.index_cast %add3A_108 : i32 to index
      %get3A_222 = arith.constant 0 : index
      %get3A_223 = tpu.vector_load %arg11[%get3A_221, %get3A_222] {strides = array<i32>} : memref<384x64xf32, #tpu.memory_space<vmem>>, vector<16xf32>,
      %mul3A_224 = arith.mulf %exp3A, %get3A_223 : vector<16xf32>
      %add3A_225 = arith.constant 128 : i32
      %add3A_226 = arith.addi %add3A_225, %add3A_108 : i32
      %get3A_227 = arith.index_cast %add3A_226 : i32 to index
      %get3A_228 = arith.constant 0 : index
      %get3A_229 = tpu.vector_load %arg11[%get3A_227, %get3A_228] {strides = array<i32>} : memref<384x64xf32, #tpu.memory_space<vmem>>, vector<16xf32>,
      %mul3A_230 = arith.mulf %exp3A_215, %get3A_229 : vector<16xf32>
      %add3A_231 = arith.addf %mul3A_224, %mul3A_230 : vector<16xf32>
      %add3A_232 = arith.constant 256 : i32
      %add3A_233 = arith.addi %add3A_232, %add3A_108 : i32
      %get3A_234 = arith.index_cast %add3A_233 : i32 to index
      %get3A_235 = arith.constant 0 : index
      %get3A_236 = tpu.vector_load %arg11[%get3A_234, %get3A_235] {strides = array<i32>} : memref<384x64xf32, #tpu.memory_space<vmem>>, vector<16xf32>,
      %mul3A_237 = arith.mulf %exp3A_218, %get3A_236 : vector<16xf32>
      %add3A_238 = arith.addf %add3A_231, %mul3A_237 : vector<16xf32>
      %div3A = arith.divf %add3A_238, %add3A_220 : vector<16xf32>
      %swap3A = arith.index_cast %add3A_108 : i32 to index
      %swap3A_239 = arith.constant 0 : index
      %swap3A_240 = tpu.vector_load %arg15[%swap3A, %swap3A_239] {strides = array<i32>} : memref<128x64xf32, #tpu.memory_space<vmem>>, vector<16xf32>,
      tpu.vector_store %arg15[%swap3A, %swap3A_239], %div3A {strides = array<i32>} : memref<128x64xf32, #tpu.memory_space<vmem>>, vector<16xf32>,
      %get3A_241 = arith.index_cast %add3A_108 : i32 to index
      %get3A_242 = arith.constant 16 : index
      %get3A_243 = tpu.vector_load %arg11[%get3A_241, %get3A_242] {strides = array<i32>} : memref<384x64xf32, #tpu.memory_space<vmem>>, vector<16xf32>,
      %mul3A_244 = arith.mulf %exp3A, %get3A_243 : vector<16xf32>
      %add3A_245 = arith.constant 128 : i32
      %add3A_246 = arith.addi %add3A_245, %add3A_108 : i32
      %get3A_247 = arith.index_cast %add3A_246 : i32 to index
      %get3A_248 = arith.constant 16 : index
      %get3A_249 = tpu.vector_load %arg11[%get3A_247, %get3A_248] {strides = array<i32>} : memref<384x64xf32, #tpu.memory_space<vmem>>, vector<16xf32>,
      %mul3A_250 = arith.mulf %exp3A_215, %get3A_249 : vector<16xf32>
      %add3A_251 = arith.addf %mul3A_244, %mul3A_250 : vector<16xf32>
      %add3A_252 = arith.constant 256 : i32
      %add3A_253 = arith.addi %add3A_252, %add3A_108 : i32
      %get3A_254 = arith.index_cast %add3A_253 : i32 to index
      %get3A_255 = arith.constant 16 : index
      %get3A_256 = tpu.vector_load %arg11[%get3A_254, %get3A_255] {strides = array<i32>} : memref<384x64xf32, #tpu.memory_space<vmem>>, vector<16xf32>,
      %mul3A_257 = arith.mulf %exp3A_218, %get3A_256 : vector<16xf32>
      %add3A_258 = arith.addf %add3A_251, %mul3A_257 : vector<16xf32>
      %div3A_259 = arith.divf %add3A_258, %add3A_220 : vector<16xf32>
      %swap3A_260 = arith.index_cast %add3A_108 : i32 to index
      %swap3A_261 = arith.constant 16 : index
      %swap3A_262 = tpu.vector_load %arg15[%swap3A_260, %swap3A_261] {strides = array<i32>} : memref<128x64xf32, #tpu.memory_space<vmem>>, vector<16xf32>,
      tpu.vector_store %arg15[%swap3A_260, %swap3A_261], %div3A_259 {strides = array<i32>} : memref<128x64xf32, #tpu.memory_space<vmem>>, vector<16xf32>,
      %get3A_263 = arith.index_cast %add3A_108 : i32 to index
      %get3A_264 = arith.constant 32 : index
      %get3A_265 = tpu.vector_load %arg11[%get3A_263, %get3A_264] {strides = array<i32>} : memref<384x64xf32, #tpu.memory_space<vmem>>, vector<16xf32>,
      %mul3A_266 = arith.mulf %exp3A, %get3A_265 : vector<16xf32>
      %add3A_267 = arith.constant 128 : i32
      %add3A_268 = arith.addi %add3A_267, %add3A_108 : i32
      %get3A_269 = arith.index_cast %add3A_268 : i32 to index
      %get3A_270 = arith.constant 32 : index
      %get3A_271 = tpu.vector_load %arg11[%get3A_269, %get3A_270] {strides = array<i32>} : memref<384x64xf32, #tpu.memory_space<vmem>>, vector<16xf32>,
      %mul3A_272 = arith.mulf %exp3A_215, %get3A_271 : vector<16xf32>
      %add3A_273 = arith.addf %mul3A_266, %mul3A_272 : vector<16xf32>
      %add3A_274 = arith.constant 256 : i32
      %add3A_275 = arith.addi %add3A_274, %add3A_108 : i32
      %get3A_276 = arith.index_cast %add3A_275 : i32 to index
      %get3A_277 = arith.constant 32 : index
      %get3A_278 = tpu.vector_load %arg11[%get3A_276, %get3A_277] {strides = array<i32>} : memref<384x64xf32, #tpu.memory_space<vmem>>, vector<16xf32>,
      %mul3A_279 = arith.mulf %exp3A_218, %get3A_278 : vector<16xf32>
      %add3A_280 = arith.addf %add3A_273, %mul3A_279 : vector<16xf32>
      %div3A_281 = arith.divf %add3A_280, %add3A_220 : vector<16xf32>
      %swap3A_282 = arith.index_cast %add3A_108 : i32 to index
      %swap3A_283 = arith.constant 32 : index
      %swap3A_284 = tpu.vector_load %arg15[%swap3A_282, %swap3A_283] {strides = array<i32>} : memref<128x64xf32, #tpu.memory_space<vmem>>, vector<16xf32>,
      tpu.vector_store %arg15[%swap3A_282, %swap3A_283], %div3A_281 {strides = array<i32>} : memref<128x64xf32, #tpu.memory_space<vmem>>, vector<16xf32>,
      %get3A_285 = arith.index_cast %add3A_108 : i32 to index
      %get3A_286 = arith.constant 48 : index
      %get3A_287 = tpu.vector_load %arg11[%get3A_285, %get3A_286] {strides = array<i32>} : memref<384x64xf32, #tpu.memory_space<vmem>>, vector<16xf32>,
      %mul3A_288 = arith.mulf %exp3A, %get3A_287 : vector<16xf32>
      %add3A_289 = arith.constant 128 : i32
      %add3A_290 = arith.addi %add3A_289, %add3A_108 : i32
      %get3A_291 = arith.index_cast %add3A_290 : i32 to index
      %get3A_292 = arith.constant 48 : index
      %get3A_293 = tpu.vector_load %arg11[%get3A_291, %get3A_292] {strides = array<i32>} : memref<384x64xf32, #tpu.memory_space<vmem>>, vector<16xf32>,
      %mul3A_294 = arith.mulf %exp3A_215, %get3A_293 : vector<16xf32>
      %add3A_295 = arith.addf %mul3A_288, %mul3A_294 : vector<16xf32>
      %add3A_296 = arith.constant 256 : i32
      %add3A_297 = arith.addi %add3A_296, %add3A_108 : i32
      %get3A_298 = arith.index_cast %add3A_297 : i32 to index
      %get3A_299 = arith.constant 48 : index
      %get3A_300 = tpu.vector_load %arg11[%get3A_298, %get3A_299] {strides = array<i32>} : memref<384x64xf32, #tpu.memory_space<vmem>>, vector<16xf32>,
      %mul3A_301 = arith.mulf %exp3A_218, %get3A_300 : vector<16xf32>
      %add3A_302 = arith.addf %add3A_295, %mul3A_301 : vector<16xf32>
      %div3A_303 = arith.divf %add3A_302, %add3A_220 : vector<16xf32>
      %swap3A_304 = arith.index_cast %add3A_108 : i32 to index
      %swap3A_305 = arith.constant 48 : index
      %swap3A_306 = tpu.vector_load %arg15[%swap3A_304, %swap3A_305] {strides = array<i32>} : memref<128x64xf32, #tpu.memory_space<vmem>>, vector<16xf32>,
      tpu.vector_store %arg15[%swap3A_304, %swap3A_305], %div3A_303 {strides = array<i32>} : memref<128x64xf32, #tpu.memory_space<vmem>>, vector<16xf32>,
    }
    %scan3A_60 = arith.constant 128 : i32
    %add3A_61 = arith.constant 128 : i32
    %add3A_62 = arith.addi %mul3A_2, %add3A_61 : i32
    "tpu.region"() ({
      %run_scoped3A = tpu.sem_alloc : memref<!tpu.dma_semaphore, #tpu.memory_space<semaphore_mem>>
      %dma_start3A_104 = arith.constant 0 : i32
      %dma_start3A_105 = tpu.memref_slice %arg6[%add3A_62, %dma_start3A_104] : memref<16384x64xf32, #tpu.memory_space<hbm>> -> memref<128x64xf32, #tpu.memory_space<hbm>>
      %dma_start3A_106 = arith.constant 0 : i32
      %dma_start3A_107 = tpu.memref_slice %arg6[%add3A_62, %dma_start3A_106] : memref<16384x64xf32, #tpu.memory_space<hbm>> -> memref<128x64xf32, #tpu.memory_space<hbm>>
      tpu.enqueue_dma source(%arg15 : memref<128x64xf32, #tpu.memory_space<vmem>>) target(%dma_start3A_107 : memref<128x64xf32, #tpu.memory_space<hbm>>) target_semaphore(%run_scoped3A : memref<!tpu.dma_semaphore, #tpu.memory_space<semaphore_mem>>)
      %dma_wait3A_108 = arith.constant 0 : i32
      %dma_wait3A_109 = tpu.memref_slice %arg6[%add3A_62, %dma_wait3A_108] : memref<16384x64xf32, #tpu.memory_space<hbm>> -> memref<128x64xf32, #tpu.memory_space<hbm>>
      %dma_wait3A_110 = arith.constant 0 : i32
      %dma_wait3A_111 = tpu.memref_slice %arg6[%add3A_62, %dma_wait3A_110] : memref<16384x64xf32, #tpu.memory_space<hbm>> -> memref<128x64xf32, #tpu.memory_space<hbm>>
      tpu.wait_dma2 semaphore(%run_scoped3A : memref<!tpu.dma_semaphore, #tpu.memory_space<semaphore_mem>>) src(%arg15 : memref<128x64xf32, #tpu.memory_space<vmem>>) dst(%dma_wait3A_111 : memref<128x64xf32, #tpu.memory_space<hbm>>)
      tpu.yield
    }) : () -> ()
    %scan3A_63 = arith.constant 0 : i32
    %scan3A_64 = arith.constant 8 : i32
    %scan3A_65 = arith.addi %scan3A_63, %scan3A_64 : i32
    %scan3A_66 = arith.constant 1 : i32
    scf.for %scan3A_104 = %scan3A_63 to %scan3A_65 step %scan3A_66  : i32 {
      %mul3A_105 = arith.constant 16 : i32
      %mul3A_106 = arith.muli %scan3A_104, %mul3A_105 : i32
      %add3A_107 = arith.constant 0 : i32
      %add3A_108 = arith.addi %add3A_107, %mul3A_106 : i32
      %add3A_109 = arith.constant 384 : i32
      %add3A_110 = arith.addi %add3A_109, %add3A_108 : i32
      %get3A = arith.index_cast %add3A_110 : i32 to index
      %get3A_111 = tpu.vector_load %arg7[%get3A] {strides = array<i32>} : memref<512xi32, #tpu.memory_space<vmem>>, vector<16xi32>,
      %mul3A_112 = arith.constant 3 : i32
      %mul3A_113 = vector.broadcast %mul3A_112 : i32 to vector<16xi32>
      %mul3A_114 = arith.muli %get3A_111, %mul3A_113 : vector<16xi32>
      %swap3A = arith.index_cast %add3A_108 : i32 to index
      %swap3A_115 = tpu.vector_load %arg9[%swap3A] {strides = array<i32>} : memref<384xi32, #tpu.memory_space<vmem>>, vector<16xi32>,
      tpu.vector_store %arg9[%swap3A], %mul3A_114 {strides = array<i32>} : memref<384xi32, #tpu.memory_space<vmem>>, vector<16xi32>,
      %add3A_116 = arith.constant 1 : i32
      %add3A_117 = vector.broadcast %add3A_116 : i32 to vector<16xi32>
      %add3A_118 = arith.addi %mul3A_114, %add3A_117 : vector<16xi32>
      %add3A_119 = arith.constant 128 : i32
      %add3A_120 = arith.addi %add3A_119, %add3A_108 : i32
      %swap3A_121 = arith.index_cast %add3A_120 : i32 to index
      %swap3A_122 = tpu.vector_load %arg9[%swap3A_121] {strides = array<i32>} : memref<384xi32, #tpu.memory_space<vmem>>, vector<16xi32>,
      tpu.vector_store %arg9[%swap3A_121], %add3A_118 {strides = array<i32>} : memref<384xi32, #tpu.memory_space<vmem>>, vector<16xi32>,
      %add3A_123 = arith.constant 2 : i32
      %add3A_124 = vector.broadcast %add3A_123 : i32 to vector<16xi32>
      %add3A_125 = arith.addi %mul3A_114, %add3A_124 : vector<16xi32>
      %add3A_126 = arith.constant 256 : i32
      %add3A_127 = arith.addi %add3A_126, %add3A_108 : i32
      %swap3A_128 = arith.index_cast %add3A_127 : i32 to index
      %swap3A_129 = tpu.vector_load %arg9[%swap3A_128] {strides = array<i32>} : memref<384xi32, #tpu.memory_space<vmem>>, vector<16xi32>,
      tpu.vector_store %arg9[%swap3A_128], %add3A_125 {strides = array<i32>} : memref<384xi32, #tpu.memory_space<vmem>>, vector<16xi32>,
    }
    %scan3A_67 = arith.constant 8 : i32
    %dma_start3A_68 = arith.constant 0 : i32
    %dma_start3A_69 = arith.constant 0 : i32
    %dma_start3A_70 = tpu.memref_slice %arg2[%dma_start3A_68, %dma_start3A_69] : memref<300000x64xf32, #tpu.memory_space<hbm>> -> memref<300000x64xf32, #tpu.memory_space<hbm>>
    tpu.enqueue_indirect_dma source(%dma_start3A_70 : memref<300000x64xf32, #tpu.memory_space<hbm>>) target(%arg11 : memref<384x64xf32, #tpu.memory_space<vmem>>) offsets(%arg9 : memref<384xi32, #tpu.memory_space<vmem>>) semaphore(%arg17 : memref<!tpu.dma_semaphore, #tpu.memory_space<semaphore_mem>>)
    %dma_start3A_71 = arith.constant 0 : i32
    %dma_start3A_72 = arith.constant 0 : i32
    %dma_start3A_73 = tpu.memref_slice %arg3[%dma_start3A_71, %dma_start3A_72] : memref<300000x64xf32, #tpu.memory_space<hbm>> -> memref<300000x64xf32, #tpu.memory_space<hbm>>
    tpu.enqueue_indirect_dma source(%dma_start3A_73 : memref<300000x64xf32, #tpu.memory_space<hbm>>) target(%arg13 : memref<384x64xf32, #tpu.memory_space<vmem>>) offsets(%arg9 : memref<384xi32, #tpu.memory_space<vmem>>) semaphore(%arg19 : memref<!tpu.dma_semaphore, #tpu.memory_space<semaphore_mem>>)
    %add3A_74 = arith.constant 256 : i32
    %add3A_75 = arith.addi %mul3A_2, %add3A_74 : i32
    "tpu.region"() ({
      %run_scoped3A = tpu.sem_alloc : memref<!tpu.dma_semaphore, #tpu.memory_space<semaphore_mem>>
      %dma_start3A_104 = arith.constant 0 : i32
      %dma_start3A_105 = tpu.memref_slice %arg5[%add3A_75, %dma_start3A_104] : memref<16384x64xf32, #tpu.memory_space<hbm>> -> memref<128x64xf32, #tpu.memory_space<hbm>>
      %dma_start3A_106 = arith.constant 0 : i32
      %dma_start3A_107 = tpu.memref_slice %arg5[%add3A_75, %dma_start3A_106] : memref<16384x64xf32, #tpu.memory_space<hbm>> -> memref<128x64xf32, #tpu.memory_space<hbm>>
      tpu.enqueue_dma source(%dma_start3A_107 : memref<128x64xf32, #tpu.memory_space<hbm>>) target(%arg14 : memref<128x64xf32, #tpu.memory_space<vmem>>) target_semaphore(%run_scoped3A : memref<!tpu.dma_semaphore, #tpu.memory_space<semaphore_mem>>)
      %dma_wait3A_108 = arith.constant 0 : i32
      %dma_wait3A_109 = tpu.memref_slice %arg5[%add3A_75, %dma_wait3A_108] : memref<16384x64xf32, #tpu.memory_space<hbm>> -> memref<128x64xf32, #tpu.memory_space<hbm>>
      %dma_wait3A_110 = arith.constant 0 : i32
      %dma_wait3A_111 = tpu.memref_slice %arg5[%add3A_75, %dma_wait3A_110] : memref<16384x64xf32, #tpu.memory_space<hbm>> -> memref<128x64xf32, #tpu.memory_space<hbm>>
      tpu.wait_dma2 semaphore(%run_scoped3A : memref<!tpu.dma_semaphore, #tpu.memory_space<semaphore_mem>>) src(%dma_wait3A_111 : memref<128x64xf32, #tpu.memory_space<hbm>>) dst(%arg14 : memref<128x64xf32, #tpu.memory_space<vmem>>)
      tpu.yield
    }) : () -> ()
    %dma_wait3A_76 = arith.constant 0 : i32
    %dma_wait3A_77 = arith.constant 0 : i32
    %dma_wait3A_78 = tpu.memref_slice %arg3[%dma_wait3A_76, %dma_wait3A_77] : memref<300000x64xf32, #tpu.memory_space<hbm>> -> memref<300000x64xf32, #tpu.memory_space<hbm>>
    tpu.wait_indirect_dma semaphore(%arg18 : memref<!tpu.dma_semaphore, #tpu.memory_space<semaphore_mem>>) src(%dma_wait3A_78 : memref<300000x64xf32, #tpu.memory_space<hbm>>) dst(%arg12 : memref<384x64xf32, #tpu.memory_space<vmem>>)
    %dma_wait3A_79 = arith.constant 0 : i32
    %dma_wait3A_80 = arith.constant 0 : i32
    %dma_wait3A_81 = tpu.memref_slice %arg2[%dma_wait3A_79, %dma_wait3A_80] : memref<300000x64xf32, #tpu.memory_space<hbm>> -> memref<300000x64xf32, #tpu.memory_space<hbm>>
    tpu.wait_indirect_dma semaphore(%arg16 : memref<!tpu.dma_semaphore, #tpu.memory_space<semaphore_mem>>) src(%dma_wait3A_81 : memref<300000x64xf32, #tpu.memory_space<hbm>>) dst(%arg10 : memref<384x64xf32, #tpu.memory_space<vmem>>)
    %scan3A_82 = arith.constant 0 : i32
    %scan3A_83 = arith.constant 128 : i32
    %scan3A_84 = arith.addi %scan3A_82, %scan3A_83 : i32
    %scan3A_85 = arith.constant 1 : i32
    scf.for %scan3A_104 = %scan3A_82 to %scan3A_84 step %scan3A_85  : i32 {
      %mul3A_105 = arith.constant 1 : i32
      %mul3A_106 = arith.muli %scan3A_104, %mul3A_105 : i32
      %add3A_107 = arith.constant 0 : i32
      %add3A_108 = arith.addi %add3A_107, %mul3A_106 : i32
      %get3A = arith.index_cast %add3A_108 : i32 to index
      %get3A_109 = arith.constant 0 : index
      %get3A_110 = tpu.vector_load %arg14[%get3A, %get3A_109] {strides = array<i32>} : memref<128x64xf32, #tpu.memory_space<vmem>>, vector<16xf32>,
      %get3A_111 = arith.index_cast %add3A_108 : i32 to index
      %get3A_112 = arith.constant 16 : index
      %get3A_113 = tpu.vector_load %arg14[%get3A_111, %get3A_112] {strides = array<i32>} : memref<128x64xf32, #tpu.memory_space<vmem>>, vector<16xf32>,
      %get3A_114 = arith.index_cast %add3A_108 : i32 to index
      %get3A_115 = arith.constant 32 : index
      %get3A_116 = tpu.vector_load %arg14[%get3A_114, %get3A_115] {strides = array<i32>} : memref<128x64xf32, #tpu.memory_space<vmem>>, vector<16xf32>,
      %get3A_117 = arith.index_cast %add3A_108 : i32 to index
      %get3A_118 = arith.constant 48 : index
      %get3A_119 = tpu.vector_load %arg14[%get3A_117, %get3A_118] {strides = array<i32>} : memref<128x64xf32, #tpu.memory_space<vmem>>, vector<16xf32>,
      %add3A_120 = arith.constant 0 : i32
      %add3A_121 = arith.addi %add3A_120, %add3A_108 : i32
      %get3A_122 = arith.index_cast %add3A_121 : i32 to index
      %get3A_123 = arith.constant 0 : index
      %get3A_124 = tpu.vector_load %arg12[%get3A_122, %get3A_123] {strides = array<i32>} : memref<384x64xf32, #tpu.memory_space<vmem>>, vector<16xf32>,
      %mul3A_125 = arith.mulf %get3A_124, %get3A_110 : vector<16xf32>
      %add3A_126 = arith.constant 0 : i32
      %add3A_127 = arith.addi %add3A_126, %add3A_108 : i32
      %get3A_128 = arith.index_cast %add3A_127 : i32 to index
      %get3A_129 = arith.constant 16 : index
      %get3A_130 = tpu.vector_load %arg12[%get3A_128, %get3A_129] {strides = array<i32>} : memref<384x64xf32, #tpu.memory_space<vmem>>, vector<16xf32>,
      %mul3A_131 = arith.mulf %get3A_130, %get3A_113 : vector<16xf32>
      %add3A_132 = arith.addf %mul3A_125, %mul3A_131 : vector<16xf32>
      %add3A_133 = arith.constant 0 : i32
      %add3A_134 = arith.addi %add3A_133, %add3A_108 : i32
      %get3A_135 = arith.index_cast %add3A_134 : i32 to index
      %get3A_136 = arith.constant 32 : index
      %get3A_137 = tpu.vector_load %arg12[%get3A_135, %get3A_136] {strides = array<i32>} : memref<384x64xf32, #tpu.memory_space<vmem>>, vector<16xf32>,
      %mul3A_138 = arith.mulf %get3A_137, %get3A_116 : vector<16xf32>
      %add3A_139 = arith.addf %add3A_132, %mul3A_138 : vector<16xf32>
      %add3A_140 = arith.constant 0 : i32
      %add3A_141 = arith.addi %add3A_140, %add3A_108 : i32
      %get3A_142 = arith.index_cast %add3A_141 : i32 to index
      %get3A_143 = arith.constant 48 : index
      %get3A_144 = tpu.vector_load %arg12[%get3A_142, %get3A_143] {strides = array<i32>} : memref<384x64xf32, #tpu.memory_space<vmem>>, vector<16xf32>,
      %mul3A_145 = arith.mulf %get3A_144, %get3A_119 : vector<16xf32>
      %add3A_146 = arith.addf %add3A_139, %mul3A_145 : vector<16xf32>
      %reduce_sum3A = arith.constant true
      %reduce_sum3A_147 = vector.broadcast %reduce_sum3A : i1 to vector<16xi1>
      %reduce_sum3A_148 = tpu.scan <sum>, %add3A_146 masked %reduce_sum3A_147 : vector<16xf32>, vector<16xi1> -> vector<16xf32>
      %reduce_sum3A_149 = vector.extract %reduce_sum3A_148[15] : f32 from vector<16xf32>
      %add3A_150 = arith.constant 128 : i32
      %add3A_151 = arith.addi %add3A_150, %add3A_108 : i32
      %get3A_152 = arith.index_cast %add3A_151 : i32 to index
      %get3A_153 = arith.constant 0 : index
      %get3A_154 = tpu.vector_load %arg12[%get3A_152, %get3A_153] {strides = array<i32>} : memref<384x64xf32, #tpu.memory_space<vmem>>, vector<16xf32>,
      %mul3A_155 = arith.mulf %get3A_154, %get3A_110 : vector<16xf32>
      %add3A_156 = arith.constant 128 : i32
      %add3A_157 = arith.addi %add3A_156, %add3A_108 : i32
      %get3A_158 = arith.index_cast %add3A_157 : i32 to index
      %get3A_159 = arith.constant 16 : index
      %get3A_160 = tpu.vector_load %arg12[%get3A_158, %get3A_159] {strides = array<i32>} : memref<384x64xf32, #tpu.memory_space<vmem>>, vector<16xf32>,
      %mul3A_161 = arith.mulf %get3A_160, %get3A_113 : vector<16xf32>
      %add3A_162 = arith.addf %mul3A_155, %mul3A_161 : vector<16xf32>
      %add3A_163 = arith.constant 128 : i32
      %add3A_164 = arith.addi %add3A_163, %add3A_108 : i32
      %get3A_165 = arith.index_cast %add3A_164 : i32 to index
      %get3A_166 = arith.constant 32 : index
      %get3A_167 = tpu.vector_load %arg12[%get3A_165, %get3A_166] {strides = array<i32>} : memref<384x64xf32, #tpu.memory_space<vmem>>, vector<16xf32>,
      %mul3A_168 = arith.mulf %get3A_167, %get3A_116 : vector<16xf32>
      %add3A_169 = arith.addf %add3A_162, %mul3A_168 : vector<16xf32>
      %add3A_170 = arith.constant 128 : i32
      %add3A_171 = arith.addi %add3A_170, %add3A_108 : i32
      %get3A_172 = arith.index_cast %add3A_171 : i32 to index
      %get3A_173 = arith.constant 48 : index
      %get3A_174 = tpu.vector_load %arg12[%get3A_172, %get3A_173] {strides = array<i32>} : memref<384x64xf32, #tpu.memory_space<vmem>>, vector<16xf32>,
      %mul3A_175 = arith.mulf %get3A_174, %get3A_119 : vector<16xf32>
      %add3A_176 = arith.addf %add3A_169, %mul3A_175 : vector<16xf32>
      %reduce_sum3A_177 = arith.constant true
      %reduce_sum3A_178 = vector.broadcast %reduce_sum3A_177 : i1 to vector<16xi1>
      %reduce_sum3A_179 = tpu.scan <sum>, %add3A_176 masked %reduce_sum3A_178 : vector<16xf32>, vector<16xi1> -> vector<16xf32>
      %reduce_sum3A_180 = vector.extract %reduce_sum3A_179[15] : f32 from vector<16xf32>
      %add3A_181 = arith.constant 256 : i32
      %add3A_182 = arith.addi %add3A_181, %add3A_108 : i32
      %get3A_183 = arith.index_cast %add3A_182 : i32 to index
      %get3A_184 = arith.constant 0 : index
      %get3A_185 = tpu.vector_load %arg12[%get3A_183, %get3A_184] {strides = array<i32>} : memref<384x64xf32, #tpu.memory_space<vmem>>, vector<16xf32>,
      %mul3A_186 = arith.mulf %get3A_185, %get3A_110 : vector<16xf32>
      %add3A_187 = arith.constant 256 : i32
      %add3A_188 = arith.addi %add3A_187, %add3A_108 : i32
      %get3A_189 = arith.index_cast %add3A_188 : i32 to index
      %get3A_190 = arith.constant 16 : index
      %get3A_191 = tpu.vector_load %arg12[%get3A_189, %get3A_190] {strides = array<i32>} : memref<384x64xf32, #tpu.memory_space<vmem>>, vector<16xf32>,
      %mul3A_192 = arith.mulf %get3A_191, %get3A_113 : vector<16xf32>
      %add3A_193 = arith.addf %mul3A_186, %mul3A_192 : vector<16xf32>
      %add3A_194 = arith.constant 256 : i32
      %add3A_195 = arith.addi %add3A_194, %add3A_108 : i32
      %get3A_196 = arith.index_cast %add3A_195 : i32 to index
      %get3A_197 = arith.constant 32 : index
      %get3A_198 = tpu.vector_load %arg12[%get3A_196, %get3A_197] {strides = array<i32>} : memref<384x64xf32, #tpu.memory_space<vmem>>, vector<16xf32>,
      %mul3A_199 = arith.mulf %get3A_198, %get3A_116 : vector<16xf32>
      %add3A_200 = arith.addf %add3A_193, %mul3A_199 : vector<16xf32>
      %add3A_201 = arith.constant 256 : i32
      %add3A_202 = arith.addi %add3A_201, %add3A_108 : i32
      %get3A_203 = arith.index_cast %add3A_202 : i32 to index
      %get3A_204 = arith.constant 48 : index
      %get3A_205 = tpu.vector_load %arg12[%get3A_203, %get3A_204] {strides = array<i32>} : memref<384x64xf32, #tpu.memory_space<vmem>>, vector<16xf32>,
      %mul3A_206 = arith.mulf %get3A_205, %get3A_119 : vector<16xf32>
      %add3A_207 = arith.addf %add3A_200, %mul3A_206 : vector<16xf32>
      %reduce_sum3A_208 = arith.constant true
      %reduce_sum3A_209 = vector.broadcast %reduce_sum3A_208 : i1 to vector<16xi1>
      %reduce_sum3A_210 = tpu.scan <sum>, %add3A_207 masked %reduce_sum3A_209 : vector<16xf32>, vector<16xi1> -> vector<16xf32>
      %reduce_sum3A_211 = vector.extract %reduce_sum3A_210[15] : f32 from vector<16xf32>
      %max3A = arith.maximumf %reduce_sum3A_180, %reduce_sum3A_211 : f32
      %max3A_212 = arith.maximumf %reduce_sum3A_149, %max3A : f32
      %sub3A = arith.subf %reduce_sum3A_149, %max3A_212 : f32
      %broadcast_in_dim3A = vector.broadcast %sub3A : f32 to vector<16xf32>
      %exp3A = math.exp %broadcast_in_dim3A : vector<16xf32>
      %sub3A_213 = arith.subf %reduce_sum3A_180, %max3A_212 : f32
      %broadcast_in_dim3A_214 = vector.broadcast %sub3A_213 : f32 to vector<16xf32>
      %exp3A_215 = math.exp %broadcast_in_dim3A_214 : vector<16xf32>
      %sub3A_216 = arith.subf %reduce_sum3A_211, %max3A_212 : f32
      %broadcast_in_dim3A_217 = vector.broadcast %sub3A_216 : f32 to vector<16xf32>
      %exp3A_218 = math.exp %broadcast_in_dim3A_217 : vector<16xf32>
      %add3A_219 = arith.addf %exp3A, %exp3A_215 : vector<16xf32>
      %add3A_220 = arith.addf %add3A_219, %exp3A_218 : vector<16xf32>
      %get3A_221 = arith.index_cast %add3A_108 : i32 to index
      %get3A_222 = arith.constant 0 : index
      %get3A_223 = tpu.vector_load %arg10[%get3A_221, %get3A_222] {strides = array<i32>} : memref<384x64xf32, #tpu.memory_space<vmem>>, vector<16xf32>,
      %mul3A_224 = arith.mulf %exp3A, %get3A_223 : vector<16xf32>
      %add3A_225 = arith.constant 128 : i32
      %add3A_226 = arith.addi %add3A_225, %add3A_108 : i32
      %get3A_227 = arith.index_cast %add3A_226 : i32 to index
      %get3A_228 = arith.constant 0 : index
      %get3A_229 = tpu.vector_load %arg10[%get3A_227, %get3A_228] {strides = array<i32>} : memref<384x64xf32, #tpu.memory_space<vmem>>, vector<16xf32>,
      %mul3A_230 = arith.mulf %exp3A_215, %get3A_229 : vector<16xf32>
      %add3A_231 = arith.addf %mul3A_224, %mul3A_230 : vector<16xf32>
      %add3A_232 = arith.constant 256 : i32
      %add3A_233 = arith.addi %add3A_232, %add3A_108 : i32
      %get3A_234 = arith.index_cast %add3A_233 : i32 to index
      %get3A_235 = arith.constant 0 : index
      %get3A_236 = tpu.vector_load %arg10[%get3A_234, %get3A_235] {strides = array<i32>} : memref<384x64xf32, #tpu.memory_space<vmem>>, vector<16xf32>,
      %mul3A_237 = arith.mulf %exp3A_218, %get3A_236 : vector<16xf32>
      %add3A_238 = arith.addf %add3A_231, %mul3A_237 : vector<16xf32>
      %div3A = arith.divf %add3A_238, %add3A_220 : vector<16xf32>
      %swap3A = arith.index_cast %add3A_108 : i32 to index
      %swap3A_239 = arith.constant 0 : index
      %swap3A_240 = tpu.vector_load %arg15[%swap3A, %swap3A_239] {strides = array<i32>} : memref<128x64xf32, #tpu.memory_space<vmem>>, vector<16xf32>,
      tpu.vector_store %arg15[%swap3A, %swap3A_239], %div3A {strides = array<i32>} : memref<128x64xf32, #tpu.memory_space<vmem>>, vector<16xf32>,
      %get3A_241 = arith.index_cast %add3A_108 : i32 to index
      %get3A_242 = arith.constant 16 : index
      %get3A_243 = tpu.vector_load %arg10[%get3A_241, %get3A_242] {strides = array<i32>} : memref<384x64xf32, #tpu.memory_space<vmem>>, vector<16xf32>,
      %mul3A_244 = arith.mulf %exp3A, %get3A_243 : vector<16xf32>
      %add3A_245 = arith.constant 128 : i32
      %add3A_246 = arith.addi %add3A_245, %add3A_108 : i32
      %get3A_247 = arith.index_cast %add3A_246 : i32 to index
      %get3A_248 = arith.constant 16 : index
      %get3A_249 = tpu.vector_load %arg10[%get3A_247, %get3A_248] {strides = array<i32>} : memref<384x64xf32, #tpu.memory_space<vmem>>, vector<16xf32>,
      %mul3A_250 = arith.mulf %exp3A_215, %get3A_249 : vector<16xf32>
      %add3A_251 = arith.addf %mul3A_244, %mul3A_250 : vector<16xf32>
      %add3A_252 = arith.constant 256 : i32
      %add3A_253 = arith.addi %add3A_252, %add3A_108 : i32
      %get3A_254 = arith.index_cast %add3A_253 : i32 to index
      %get3A_255 = arith.constant 16 : index
      %get3A_256 = tpu.vector_load %arg10[%get3A_254, %get3A_255] {strides = array<i32>} : memref<384x64xf32, #tpu.memory_space<vmem>>, vector<16xf32>,
      %mul3A_257 = arith.mulf %exp3A_218, %get3A_256 : vector<16xf32>
      %add3A_258 = arith.addf %add3A_251, %mul3A_257 : vector<16xf32>
      %div3A_259 = arith.divf %add3A_258, %add3A_220 : vector<16xf32>
      %swap3A_260 = arith.index_cast %add3A_108 : i32 to index
      %swap3A_261 = arith.constant 16 : index
      %swap3A_262 = tpu.vector_load %arg15[%swap3A_260, %swap3A_261] {strides = array<i32>} : memref<128x64xf32, #tpu.memory_space<vmem>>, vector<16xf32>,
      tpu.vector_store %arg15[%swap3A_260, %swap3A_261], %div3A_259 {strides = array<i32>} : memref<128x64xf32, #tpu.memory_space<vmem>>, vector<16xf32>,
      %get3A_263 = arith.index_cast %add3A_108 : i32 to index
      %get3A_264 = arith.constant 32 : index
      %get3A_265 = tpu.vector_load %arg10[%get3A_263, %get3A_264] {strides = array<i32>} : memref<384x64xf32, #tpu.memory_space<vmem>>, vector<16xf32>,
      %mul3A_266 = arith.mulf %exp3A, %get3A_265 : vector<16xf32>
      %add3A_267 = arith.constant 128 : i32
      %add3A_268 = arith.addi %add3A_267, %add3A_108 : i32
      %get3A_269 = arith.index_cast %add3A_268 : i32 to index
      %get3A_270 = arith.constant 32 : index
      %get3A_271 = tpu.vector_load %arg10[%get3A_269, %get3A_270] {strides = array<i32>} : memref<384x64xf32, #tpu.memory_space<vmem>>, vector<16xf32>,
      %mul3A_272 = arith.mulf %exp3A_215, %get3A_271 : vector<16xf32>
      %add3A_273 = arith.addf %mul3A_266, %mul3A_272 : vector<16xf32>
      %add3A_274 = arith.constant 256 : i32
      %add3A_275 = arith.addi %add3A_274, %add3A_108 : i32
      %get3A_276 = arith.index_cast %add3A_275 : i32 to index
      %get3A_277 = arith.constant 32 : index
      %get3A_278 = tpu.vector_load %arg10[%get3A_276, %get3A_277] {strides = array<i32>} : memref<384x64xf32, #tpu.memory_space<vmem>>, vector<16xf32>,
      %mul3A_279 = arith.mulf %exp3A_218, %get3A_278 : vector<16xf32>
      %add3A_280 = arith.addf %add3A_273, %mul3A_279 : vector<16xf32>
      %div3A_281 = arith.divf %add3A_280, %add3A_220 : vector<16xf32>
      %swap3A_282 = arith.index_cast %add3A_108 : i32 to index
      %swap3A_283 = arith.constant 32 : index
      %swap3A_284 = tpu.vector_load %arg15[%swap3A_282, %swap3A_283] {strides = array<i32>} : memref<128x64xf32, #tpu.memory_space<vmem>>, vector<16xf32>,
      tpu.vector_store %arg15[%swap3A_282, %swap3A_283], %div3A_281 {strides = array<i32>} : memref<128x64xf32, #tpu.memory_space<vmem>>, vector<16xf32>,
      %get3A_285 = arith.index_cast %add3A_108 : i32 to index
      %get3A_286 = arith.constant 48 : index
      %get3A_287 = tpu.vector_load %arg10[%get3A_285, %get3A_286] {strides = array<i32>} : memref<384x64xf32, #tpu.memory_space<vmem>>, vector<16xf32>,
      %mul3A_288 = arith.mulf %exp3A, %get3A_287 : vector<16xf32>
      %add3A_289 = arith.constant 128 : i32
      %add3A_290 = arith.addi %add3A_289, %add3A_108 : i32
      %get3A_291 = arith.index_cast %add3A_290 : i32 to index
      %get3A_292 = arith.constant 48 : index
      %get3A_293 = tpu.vector_load %arg10[%get3A_291, %get3A_292] {strides = array<i32>} : memref<384x64xf32, #tpu.memory_space<vmem>>, vector<16xf32>,
      %mul3A_294 = arith.mulf %exp3A_215, %get3A_293 : vector<16xf32>
      %add3A_295 = arith.addf %mul3A_288, %mul3A_294 : vector<16xf32>
      %add3A_296 = arith.constant 256 : i32
      %add3A_297 = arith.addi %add3A_296, %add3A_108 : i32
      %get3A_298 = arith.index_cast %add3A_297 : i32 to index
      %get3A_299 = arith.constant 48 : index
      %get3A_300 = tpu.vector_load %arg10[%get3A_298, %get3A_299] {strides = array<i32>} : memref<384x64xf32, #tpu.memory_space<vmem>>, vector<16xf32>,
      %mul3A_301 = arith.mulf %exp3A_218, %get3A_300 : vector<16xf32>
      %add3A_302 = arith.addf %add3A_295, %mul3A_301 : vector<16xf32>
      %div3A_303 = arith.divf %add3A_302, %add3A_220 : vector<16xf32>
      %swap3A_304 = arith.index_cast %add3A_108 : i32 to index
      %swap3A_305 = arith.constant 48 : index
      %swap3A_306 = tpu.vector_load %arg15[%swap3A_304, %swap3A_305] {strides = array<i32>} : memref<128x64xf32, #tpu.memory_space<vmem>>, vector<16xf32>,
      tpu.vector_store %arg15[%swap3A_304, %swap3A_305], %div3A_303 {strides = array<i32>} : memref<128x64xf32, #tpu.memory_space<vmem>>, vector<16xf32>,
    }
    %scan3A_86 = arith.constant 128 : i32
    %add3A_87 = arith.constant 256 : i32
    %add3A_88 = arith.addi %mul3A_2, %add3A_87 : i32
    "tpu.region"() ({
      %run_scoped3A = tpu.sem_alloc : memref<!tpu.dma_semaphore, #tpu.memory_space<semaphore_mem>>
      %dma_start3A_104 = arith.constant 0 : i32
      %dma_start3A_105 = tpu.memref_slice %arg6[%add3A_88, %dma_start3A_104] : memref<16384x64xf32, #tpu.memory_space<hbm>> -> memref<128x64xf32, #tpu.memory_space<hbm>>
      %dma_start3A_106 = arith.constant 0 : i32
      %dma_start3A_107 = tpu.memref_slice %arg6[%add3A_88, %dma_start3A_106] : memref<16384x64xf32, #tpu.memory_space<hbm>> -> memref<128x64xf32, #tpu.memory_space<hbm>>
      tpu.enqueue_dma source(%arg15 : memref<128x64xf32, #tpu.memory_space<vmem>>) target(%dma_start3A_107 : memref<128x64xf32, #tpu.memory_space<hbm>>) target_semaphore(%run_scoped3A : memref<!tpu.dma_semaphore, #tpu.memory_space<semaphore_mem>>)
      %dma_wait3A_108 = arith.constant 0 : i32
      %dma_wait3A_109 = tpu.memref_slice %arg6[%add3A_88, %dma_wait3A_108] : memref<16384x64xf32, #tpu.memory_space<hbm>> -> memref<128x64xf32, #tpu.memory_space<hbm>>
      %dma_wait3A_110 = arith.constant 0 : i32
      %dma_wait3A_111 = tpu.memref_slice %arg6[%add3A_88, %dma_wait3A_110] : memref<16384x64xf32, #tpu.memory_space<hbm>> -> memref<128x64xf32, #tpu.memory_space<hbm>>
      tpu.wait_dma2 semaphore(%run_scoped3A : memref<!tpu.dma_semaphore, #tpu.memory_space<semaphore_mem>>) src(%arg15 : memref<128x64xf32, #tpu.memory_space<vmem>>) dst(%dma_wait3A_111 : memref<128x64xf32, #tpu.memory_space<hbm>>)
      tpu.yield
    }) : () -> ()
    %add3A_89 = arith.constant 384 : i32
    %add3A_90 = arith.addi %mul3A_2, %add3A_89 : i32
    "tpu.region"() ({
      %run_scoped3A = tpu.sem_alloc : memref<!tpu.dma_semaphore, #tpu.memory_space<semaphore_mem>>
      %dma_start3A_104 = arith.constant 0 : i32
      %dma_start3A_105 = tpu.memref_slice %arg5[%add3A_90, %dma_start3A_104] : memref<16384x64xf32, #tpu.memory_space<hbm>> -> memref<128x64xf32, #tpu.memory_space<hbm>>
      %dma_start3A_106 = arith.constant 0 : i32
      %dma_start3A_107 = tpu.memref_slice %arg5[%add3A_90, %dma_start3A_106] : memref<16384x64xf32, #tpu.memory_space<hbm>> -> memref<128x64xf32, #tpu.memory_space<hbm>>
      tpu.enqueue_dma source(%dma_start3A_107 : memref<128x64xf32, #tpu.memory_space<hbm>>) target(%arg14 : memref<128x64xf32, #tpu.memory_space<vmem>>) target_semaphore(%run_scoped3A : memref<!tpu.dma_semaphore, #tpu.memory_space<semaphore_mem>>)
      %dma_wait3A_108 = arith.constant 0 : i32
      %dma_wait3A_109 = tpu.memref_slice %arg5[%add3A_90, %dma_wait3A_108] : memref<16384x64xf32, #tpu.memory_space<hbm>> -> memref<128x64xf32, #tpu.memory_space<hbm>>
      %dma_wait3A_110 = arith.constant 0 : i32
      %dma_wait3A_111 = tpu.memref_slice %arg5[%add3A_90, %dma_wait3A_110] : memref<16384x64xf32, #tpu.memory_space<hbm>> -> memref<128x64xf32, #tpu.memory_space<hbm>>
      tpu.wait_dma2 semaphore(%run_scoped3A : memref<!tpu.dma_semaphore, #tpu.memory_space<semaphore_mem>>) src(%dma_wait3A_111 : memref<128x64xf32, #tpu.memory_space<hbm>>) dst(%arg14 : memref<128x64xf32, #tpu.memory_space<vmem>>)
      tpu.yield
    }) : () -> ()
    %dma_wait3A_91 = arith.constant 0 : i32
    %dma_wait3A_92 = arith.constant 0 : i32
    %dma_wait3A_93 = tpu.memref_slice %arg3[%dma_wait3A_91, %dma_wait3A_92] : memref<300000x64xf32, #tpu.memory_space<hbm>> -> memref<300000x64xf32, #tpu.memory_space<hbm>>
    tpu.wait_indirect_dma semaphore(%arg19 : memref<!tpu.dma_semaphore, #tpu.memory_space<semaphore_mem>>) src(%dma_wait3A_93 : memref<300000x64xf32, #tpu.memory_space<hbm>>) dst(%arg13 : memref<384x64xf32, #tpu.memory_space<vmem>>)
    %dma_wait3A_94 = arith.constant 0 : i32
    %dma_wait3A_95 = arith.constant 0 : i32
    %dma_wait3A_96 = tpu.memref_slice %arg2[%dma_wait3A_94, %dma_wait3A_95] : memref<300000x64xf32, #tpu.memory_space<hbm>> -> memref<300000x64xf32, #tpu.memory_space<hbm>>
    tpu.wait_indirect_dma semaphore(%arg17 : memref<!tpu.dma_semaphore, #tpu.memory_space<semaphore_mem>>) src(%dma_wait3A_96 : memref<300000x64xf32, #tpu.memory_space<hbm>>) dst(%arg11 : memref<384x64xf32, #tpu.memory_space<vmem>>)
    %scan3A_97 = arith.constant 0 : i32
    %scan3A_98 = arith.constant 128 : i32
    %scan3A_99 = arith.addi %scan3A_97, %scan3A_98 : i32
    %scan3A_100 = arith.constant 1 : i32
    scf.for %scan3A_104 = %scan3A_97 to %scan3A_99 step %scan3A_100  : i32 {
      %mul3A_105 = arith.constant 1 : i32
      %mul3A_106 = arith.muli %scan3A_104, %mul3A_105 : i32
      %add3A_107 = arith.constant 0 : i32
      %add3A_108 = arith.addi %add3A_107, %mul3A_106 : i32
      %get3A = arith.index_cast %add3A_108 : i32 to index
      %get3A_109 = arith.constant 0 : index
      %get3A_110 = tpu.vector_load %arg14[%get3A, %get3A_109] {strides = array<i32>} : memref<128x64xf32, #tpu.memory_space<vmem>>, vector<16xf32>,
      %get3A_111 = arith.index_cast %add3A_108 : i32 to index
      %get3A_112 = arith.constant 16 : index
      %get3A_113 = tpu.vector_load %arg14[%get3A_111, %get3A_112] {strides = array<i32>} : memref<128x64xf32, #tpu.memory_space<vmem>>, vector<16xf32>,
      %get3A_114 = arith.index_cast %add3A_108 : i32 to index
      %get3A_115 = arith.constant 32 : index
      %get3A_116 = tpu.vector_load %arg14[%get3A_114, %get3A_115] {strides = array<i32>} : memref<128x64xf32, #tpu.memory_space<vmem>>, vector<16xf32>,
      %get3A_117 = arith.index_cast %add3A_108 : i32 to index
      %get3A_118 = arith.constant 48 : index
      %get3A_119 = tpu.vector_load %arg14[%get3A_117, %get3A_118] {strides = array<i32>} : memref<128x64xf32, #tpu.memory_space<vmem>>, vector<16xf32>,
      %add3A_120 = arith.constant 0 : i32
      %add3A_121 = arith.addi %add3A_120, %add3A_108 : i32
      %get3A_122 = arith.index_cast %add3A_121 : i32 to index
      %get3A_123 = arith.constant 0 : index
      %get3A_124 = tpu.vector_load %arg13[%get3A_122, %get3A_123] {strides = array<i32>} : memref<384x64xf32, #tpu.memory_space<vmem>>, vector<16xf32>,
      %mul3A_125 = arith.mulf %get3A_124, %get3A_110 : vector<16xf32>
      %add3A_126 = arith.constant 0 : i32
      %add3A_127 = arith.addi %add3A_126, %add3A_108 : i32
      %get3A_128 = arith.index_cast %add3A_127 : i32 to index
      %get3A_129 = arith.constant 16 : index
      %get3A_130 = tpu.vector_load %arg13[%get3A_128, %get3A_129] {strides = array<i32>} : memref<384x64xf32, #tpu.memory_space<vmem>>, vector<16xf32>,
      %mul3A_131 = arith.mulf %get3A_130, %get3A_113 : vector<16xf32>
      %add3A_132 = arith.addf %mul3A_125, %mul3A_131 : vector<16xf32>
      %add3A_133 = arith.constant 0 : i32
      %add3A_134 = arith.addi %add3A_133, %add3A_108 : i32
      %get3A_135 = arith.index_cast %add3A_134 : i32 to index
      %get3A_136 = arith.constant 32 : index
      %get3A_137 = tpu.vector_load %arg13[%get3A_135, %get3A_136] {strides = array<i32>} : memref<384x64xf32, #tpu.memory_space<vmem>>, vector<16xf32>,
      %mul3A_138 = arith.mulf %get3A_137, %get3A_116 : vector<16xf32>
      %add3A_139 = arith.addf %add3A_132, %mul3A_138 : vector<16xf32>
      %add3A_140 = arith.constant 0 : i32
      %add3A_141 = arith.addi %add3A_140, %add3A_108 : i32
      %get3A_142 = arith.index_cast %add3A_141 : i32 to index
      %get3A_143 = arith.constant 48 : index
      %get3A_144 = tpu.vector_load %arg13[%get3A_142, %get3A_143] {strides = array<i32>} : memref<384x64xf32, #tpu.memory_space<vmem>>, vector<16xf32>,
      %mul3A_145 = arith.mulf %get3A_144, %get3A_119 : vector<16xf32>
      %add3A_146 = arith.addf %add3A_139, %mul3A_145 : vector<16xf32>
      %reduce_sum3A = arith.constant true
      %reduce_sum3A_147 = vector.broadcast %reduce_sum3A : i1 to vector<16xi1>
      %reduce_sum3A_148 = tpu.scan <sum>, %add3A_146 masked %reduce_sum3A_147 : vector<16xf32>, vector<16xi1> -> vector<16xf32>
      %reduce_sum3A_149 = vector.extract %reduce_sum3A_148[15] : f32 from vector<16xf32>
      %add3A_150 = arith.constant 128 : i32
      %add3A_151 = arith.addi %add3A_150, %add3A_108 : i32
      %get3A_152 = arith.index_cast %add3A_151 : i32 to index
      %get3A_153 = arith.constant 0 : index
      %get3A_154 = tpu.vector_load %arg13[%get3A_152, %get3A_153] {strides = array<i32>} : memref<384x64xf32, #tpu.memory_space<vmem>>, vector<16xf32>,
      %mul3A_155 = arith.mulf %get3A_154, %get3A_110 : vector<16xf32>
      %add3A_156 = arith.constant 128 : i32
      %add3A_157 = arith.addi %add3A_156, %add3A_108 : i32
      %get3A_158 = arith.index_cast %add3A_157 : i32 to index
      %get3A_159 = arith.constant 16 : index
      %get3A_160 = tpu.vector_load %arg13[%get3A_158, %get3A_159] {strides = array<i32>} : memref<384x64xf32, #tpu.memory_space<vmem>>, vector<16xf32>,
      %mul3A_161 = arith.mulf %get3A_160, %get3A_113 : vector<16xf32>
      %add3A_162 = arith.addf %mul3A_155, %mul3A_161 : vector<16xf32>
      %add3A_163 = arith.constant 128 : i32
      %add3A_164 = arith.addi %add3A_163, %add3A_108 : i32
      %get3A_165 = arith.index_cast %add3A_164 : i32 to index
      %get3A_166 = arith.constant 32 : index
      %get3A_167 = tpu.vector_load %arg13[%get3A_165, %get3A_166] {strides = array<i32>} : memref<384x64xf32, #tpu.memory_space<vmem>>, vector<16xf32>,
      %mul3A_168 = arith.mulf %get3A_167, %get3A_116 : vector<16xf32>
      %add3A_169 = arith.addf %add3A_162, %mul3A_168 : vector<16xf32>
      %add3A_170 = arith.constant 128 : i32
      %add3A_171 = arith.addi %add3A_170, %add3A_108 : i32
      %get3A_172 = arith.index_cast %add3A_171 : i32 to index
      %get3A_173 = arith.constant 48 : index
      %get3A_174 = tpu.vector_load %arg13[%get3A_172, %get3A_173] {strides = array<i32>} : memref<384x64xf32, #tpu.memory_space<vmem>>, vector<16xf32>,
      %mul3A_175 = arith.mulf %get3A_174, %get3A_119 : vector<16xf32>
      %add3A_176 = arith.addf %add3A_169, %mul3A_175 : vector<16xf32>
      %reduce_sum3A_177 = arith.constant true
      %reduce_sum3A_178 = vector.broadcast %reduce_sum3A_177 : i1 to vector<16xi1>
      %reduce_sum3A_179 = tpu.scan <sum>, %add3A_176 masked %reduce_sum3A_178 : vector<16xf32>, vector<16xi1> -> vector<16xf32>
      %reduce_sum3A_180 = vector.extract %reduce_sum3A_179[15] : f32 from vector<16xf32>
      %add3A_181 = arith.constant 256 : i32
      %add3A_182 = arith.addi %add3A_181, %add3A_108 : i32
      %get3A_183 = arith.index_cast %add3A_182 : i32 to index
      %get3A_184 = arith.constant 0 : index
      %get3A_185 = tpu.vector_load %arg13[%get3A_183, %get3A_184] {strides = array<i32>} : memref<384x64xf32, #tpu.memory_space<vmem>>, vector<16xf32>,
      %mul3A_186 = arith.mulf %get3A_185, %get3A_110 : vector<16xf32>
      %add3A_187 = arith.constant 256 : i32
      %add3A_188 = arith.addi %add3A_187, %add3A_108 : i32
      %get3A_189 = arith.index_cast %add3A_188 : i32 to index
      %get3A_190 = arith.constant 16 : index
      %get3A_191 = tpu.vector_load %arg13[%get3A_189, %get3A_190] {strides = array<i32>} : memref<384x64xf32, #tpu.memory_space<vmem>>, vector<16xf32>,
      %mul3A_192 = arith.mulf %get3A_191, %get3A_113 : vector<16xf32>
      %add3A_193 = arith.addf %mul3A_186, %mul3A_192 : vector<16xf32>
      %add3A_194 = arith.constant 256 : i32
      %add3A_195 = arith.addi %add3A_194, %add3A_108 : i32
      %get3A_196 = arith.index_cast %add3A_195 : i32 to index
      %get3A_197 = arith.constant 32 : index
      %get3A_198 = tpu.vector_load %arg13[%get3A_196, %get3A_197] {strides = array<i32>} : memref<384x64xf32, #tpu.memory_space<vmem>>, vector<16xf32>,
      %mul3A_199 = arith.mulf %get3A_198, %get3A_116 : vector<16xf32>
      %add3A_200 = arith.addf %add3A_193, %mul3A_199 : vector<16xf32>
      %add3A_201 = arith.constant 256 : i32
      %add3A_202 = arith.addi %add3A_201, %add3A_108 : i32
      %get3A_203 = arith.index_cast %add3A_202 : i32 to index
      %get3A_204 = arith.constant 48 : index
      %get3A_205 = tpu.vector_load %arg13[%get3A_203, %get3A_204] {strides = array<i32>} : memref<384x64xf32, #tpu.memory_space<vmem>>, vector<16xf32>,
      %mul3A_206 = arith.mulf %get3A_205, %get3A_119 : vector<16xf32>
      %add3A_207 = arith.addf %add3A_200, %mul3A_206 : vector<16xf32>
      %reduce_sum3A_208 = arith.constant true
      %reduce_sum3A_209 = vector.broadcast %reduce_sum3A_208 : i1 to vector<16xi1>
      %reduce_sum3A_210 = tpu.scan <sum>, %add3A_207 masked %reduce_sum3A_209 : vector<16xf32>, vector<16xi1> -> vector<16xf32>
      %reduce_sum3A_211 = vector.extract %reduce_sum3A_210[15] : f32 from vector<16xf32>
      %max3A = arith.maximumf %reduce_sum3A_180, %reduce_sum3A_211 : f32
      %max3A_212 = arith.maximumf %reduce_sum3A_149, %max3A : f32
      %sub3A = arith.subf %reduce_sum3A_149, %max3A_212 : f32
      %broadcast_in_dim3A = vector.broadcast %sub3A : f32 to vector<16xf32>
      %exp3A = math.exp %broadcast_in_dim3A : vector<16xf32>
      %sub3A_213 = arith.subf %reduce_sum3A_180, %max3A_212 : f32
      %broadcast_in_dim3A_214 = vector.broadcast %sub3A_213 : f32 to vector<16xf32>
      %exp3A_215 = math.exp %broadcast_in_dim3A_214 : vector<16xf32>
      %sub3A_216 = arith.subf %reduce_sum3A_211, %max3A_212 : f32
      %broadcast_in_dim3A_217 = vector.broadcast %sub3A_216 : f32 to vector<16xf32>
      %exp3A_218 = math.exp %broadcast_in_dim3A_217 : vector<16xf32>
      %add3A_219 = arith.addf %exp3A, %exp3A_215 : vector<16xf32>
      %add3A_220 = arith.addf %add3A_219, %exp3A_218 : vector<16xf32>
      %get3A_221 = arith.index_cast %add3A_108 : i32 to index
      %get3A_222 = arith.constant 0 : index
      %get3A_223 = tpu.vector_load %arg11[%get3A_221, %get3A_222] {strides = array<i32>} : memref<384x64xf32, #tpu.memory_space<vmem>>, vector<16xf32>,
      %mul3A_224 = arith.mulf %exp3A, %get3A_223 : vector<16xf32>
      %add3A_225 = arith.constant 128 : i32
      %add3A_226 = arith.addi %add3A_225, %add3A_108 : i32
      %get3A_227 = arith.index_cast %add3A_226 : i32 to index
      %get3A_228 = arith.constant 0 : index
      %get3A_229 = tpu.vector_load %arg11[%get3A_227, %get3A_228] {strides = array<i32>} : memref<384x64xf32, #tpu.memory_space<vmem>>, vector<16xf32>,
      %mul3A_230 = arith.mulf %exp3A_215, %get3A_229 : vector<16xf32>
      %add3A_231 = arith.addf %mul3A_224, %mul3A_230 : vector<16xf32>
      %add3A_232 = arith.constant 256 : i32
      %add3A_233 = arith.addi %add3A_232, %add3A_108 : i32
      %get3A_234 = arith.index_cast %add3A_233 : i32 to index
      %get3A_235 = arith.constant 0 : index
      %get3A_236 = tpu.vector_load %arg11[%get3A_234, %get3A_235] {strides = array<i32>} : memref<384x64xf32, #tpu.memory_space<vmem>>, vector<16xf32>,
      %mul3A_237 = arith.mulf %exp3A_218, %get3A_236 : vector<16xf32>
      %add3A_238 = arith.addf %add3A_231, %mul3A_237 : vector<16xf32>
      %div3A = arith.divf %add3A_238, %add3A_220 : vector<16xf32>
      %swap3A = arith.index_cast %add3A_108 : i32 to index
      %swap3A_239 = arith.constant 0 : index
      %swap3A_240 = tpu.vector_load %arg15[%swap3A, %swap3A_239] {strides = array<i32>} : memref<128x64xf32, #tpu.memory_space<vmem>>, vector<16xf32>,
      tpu.vector_store %arg15[%swap3A, %swap3A_239], %div3A {strides = array<i32>} : memref<128x64xf32, #tpu.memory_space<vmem>>, vector<16xf32>,
      %get3A_241 = arith.index_cast %add3A_108 : i32 to index
      %get3A_242 = arith.constant 16 : index
      %get3A_243 = tpu.vector_load %arg11[%get3A_241, %get3A_242] {strides = array<i32>} : memref<384x64xf32, #tpu.memory_space<vmem>>, vector<16xf32>,
      %mul3A_244 = arith.mulf %exp3A, %get3A_243 : vector<16xf32>
      %add3A_245 = arith.constant 128 : i32
      %add3A_246 = arith.addi %add3A_245, %add3A_108 : i32
      %get3A_247 = arith.index_cast %add3A_246 : i32 to index
      %get3A_248 = arith.constant 16 : index
      %get3A_249 = tpu.vector_load %arg11[%get3A_247, %get3A_248] {strides = array<i32>} : memref<384x64xf32, #tpu.memory_space<vmem>>, vector<16xf32>,
      %mul3A_250 = arith.mulf %exp3A_215, %get3A_249 : vector<16xf32>
      %add3A_251 = arith.addf %mul3A_244, %mul3A_250 : vector<16xf32>
      %add3A_252 = arith.constant 256 : i32
      %add3A_253 = arith.addi %add3A_252, %add3A_108 : i32
      %get3A_254 = arith.index_cast %add3A_253 : i32 to index
      %get3A_255 = arith.constant 16 : index
      %get3A_256 = tpu.vector_load %arg11[%get3A_254, %get3A_255] {strides = array<i32>} : memref<384x64xf32, #tpu.memory_space<vmem>>, vector<16xf32>,
      %mul3A_257 = arith.mulf %exp3A_218, %get3A_256 : vector<16xf32>
      %add3A_258 = arith.addf %add3A_251, %mul3A_257 : vector<16xf32>
      %div3A_259 = arith.divf %add3A_258, %add3A_220 : vector<16xf32>
      %swap3A_260 = arith.index_cast %add3A_108 : i32 to index
      %swap3A_261 = arith.constant 16 : index
      %swap3A_262 = tpu.vector_load %arg15[%swap3A_260, %swap3A_261] {strides = array<i32>} : memref<128x64xf32, #tpu.memory_space<vmem>>, vector<16xf32>,
      tpu.vector_store %arg15[%swap3A_260, %swap3A_261], %div3A_259 {strides = array<i32>} : memref<128x64xf32, #tpu.memory_space<vmem>>, vector<16xf32>,
      %get3A_263 = arith.index_cast %add3A_108 : i32 to index
      %get3A_264 = arith.constant 32 : index
      %get3A_265 = tpu.vector_load %arg11[%get3A_263, %get3A_264] {strides = array<i32>} : memref<384x64xf32, #tpu.memory_space<vmem>>, vector<16xf32>,
      %mul3A_266 = arith.mulf %exp3A, %get3A_265 : vector<16xf32>
      %add3A_267 = arith.constant 128 : i32
      %add3A_268 = arith.addi %add3A_267, %add3A_108 : i32
      %get3A_269 = arith.index_cast %add3A_268 : i32 to index
      %get3A_270 = arith.constant 32 : index
      %get3A_271 = tpu.vector_load %arg11[%get3A_269, %get3A_270] {strides = array<i32>} : memref<384x64xf32, #tpu.memory_space<vmem>>, vector<16xf32>,
      %mul3A_272 = arith.mulf %exp3A_215, %get3A_271 : vector<16xf32>
      %add3A_273 = arith.addf %mul3A_266, %mul3A_272 : vector<16xf32>
      %add3A_274 = arith.constant 256 : i32
      %add3A_275 = arith.addi %add3A_274, %add3A_108 : i32
      %get3A_276 = arith.index_cast %add3A_275 : i32 to index
      %get3A_277 = arith.constant 32 : index
      %get3A_278 = tpu.vector_load %arg11[%get3A_276, %get3A_277] {strides = array<i32>} : memref<384x64xf32, #tpu.memory_space<vmem>>, vector<16xf32>,
      %mul3A_279 = arith.mulf %exp3A_218, %get3A_278 : vector<16xf32>
      %add3A_280 = arith.addf %add3A_273, %mul3A_279 : vector<16xf32>
      %div3A_281 = arith.divf %add3A_280, %add3A_220 : vector<16xf32>
      %swap3A_282 = arith.index_cast %add3A_108 : i32 to index
      %swap3A_283 = arith.constant 32 : index
      %swap3A_284 = tpu.vector_load %arg15[%swap3A_282, %swap3A_283] {strides = array<i32>} : memref<128x64xf32, #tpu.memory_space<vmem>>, vector<16xf32>,
      tpu.vector_store %arg15[%swap3A_282, %swap3A_283], %div3A_281 {strides = array<i32>} : memref<128x64xf32, #tpu.memory_space<vmem>>, vector<16xf32>,
      %get3A_285 = arith.index_cast %add3A_108 : i32 to index
      %get3A_286 = arith.constant 48 : index
      %get3A_287 = tpu.vector_load %arg11[%get3A_285, %get3A_286] {strides = array<i32>} : memref<384x64xf32, #tpu.memory_space<vmem>>, vector<16xf32>,
      %mul3A_288 = arith.mulf %exp3A, %get3A_287 : vector<16xf32>
      %add3A_289 = arith.constant 128 : i32
      %add3A_290 = arith.addi %add3A_289, %add3A_108 : i32
      %get3A_291 = arith.index_cast %add3A_290 : i32 to index
      %get3A_292 = arith.constant 48 : index
      %get3A_293 = tpu.vector_load %arg11[%get3A_291, %get3A_292] {strides = array<i32>} : memref<384x64xf32, #tpu.memory_space<vmem>>, vector<16xf32>,
      %mul3A_294 = arith.mulf %exp3A_215, %get3A_293 : vector<16xf32>
      %add3A_295 = arith.addf %mul3A_288, %mul3A_294 : vector<16xf32>
      %add3A_296 = arith.constant 256 : i32
      %add3A_297 = arith.addi %add3A_296, %add3A_108 : i32
      %get3A_298 = arith.index_cast %add3A_297 : i32 to index
      %get3A_299 = arith.constant 48 : index
      %get3A_300 = tpu.vector_load %arg11[%get3A_298, %get3A_299] {strides = array<i32>} : memref<384x64xf32, #tpu.memory_space<vmem>>, vector<16xf32>,
      %mul3A_301 = arith.mulf %exp3A_218, %get3A_300 : vector<16xf32>
      %add3A_302 = arith.addf %add3A_295, %mul3A_301 : vector<16xf32>
      %div3A_303 = arith.divf %add3A_302, %add3A_220 : vector<16xf32>
      %swap3A_304 = arith.index_cast %add3A_108 : i32 to index
      %swap3A_305 = arith.constant 48 : index
      %swap3A_306 = tpu.vector_load %arg15[%swap3A_304, %swap3A_305] {strides = array<i32>} : memref<128x64xf32, #tpu.memory_space<vmem>>, vector<16xf32>,
      tpu.vector_store %arg15[%swap3A_304, %swap3A_305], %div3A_303 {strides = array<i32>} : memref<128x64xf32, #tpu.memory_space<vmem>>, vector<16xf32>,
    }
    %scan3A_101 = arith.constant 128 : i32
    %add3A_102 = arith.constant 384 : i32
    %add3A_103 = arith.addi %mul3A_2, %add3A_102 : i32
    "tpu.region"() ({
      %run_scoped3A = tpu.sem_alloc : memref<!tpu.dma_semaphore, #tpu.memory_space<semaphore_mem>>
      %dma_start3A_104 = arith.constant 0 : i32
      %dma_start3A_105 = tpu.memref_slice %arg6[%add3A_103, %dma_start3A_104] : memref<16384x64xf32, #tpu.memory_space<hbm>> -> memref<128x64xf32, #tpu.memory_space<hbm>>
      %dma_start3A_106 = arith.constant 0 : i32
      %dma_start3A_107 = tpu.memref_slice %arg6[%add3A_103, %dma_start3A_106] : memref<16384x64xf32, #tpu.memory_space<hbm>> -> memref<128x64xf32, #tpu.memory_space<hbm>>
      tpu.enqueue_dma source(%arg15 : memref<128x64xf32, #tpu.memory_space<vmem>>) target(%dma_start3A_107 : memref<128x64xf32, #tpu.memory_space<hbm>>) target_semaphore(%run_scoped3A : memref<!tpu.dma_semaphore, #tpu.memory_space<semaphore_mem>>)
      %dma_wait3A_108 = arith.constant 0 : i32
      %dma_wait3A_109 = tpu.memref_slice %arg6[%add3A_103, %dma_wait3A_108] : memref<16384x64xf32, #tpu.memory_space<hbm>> -> memref<128x64xf32, #tpu.memory_space<hbm>>
      %dma_wait3A_110 = arith.constant 0 : i32
      %dma_wait3A_111 = tpu.memref_slice %arg6[%add3A_103, %dma_wait3A_110] : memref<16384x64xf32, #tpu.memory_space<hbm>> -> memref<128x64xf32, #tpu.memory_space<hbm>>
      tpu.wait_dma2 semaphore(%run_scoped3A : memref<!tpu.dma_semaphore, #tpu.memory_space<semaphore_mem>>) src(%arg15 : memref<128x64xf32, #tpu.memory_space<vmem>>) dst(%dma_wait3A_111 : memref<128x64xf32, #tpu.memory_space<hbm>>)
      tpu.yield
    }) : () -> ()
    return
  }
}

</mosaic_0001>

<sc_bundles>
// kernel: kernel.3.cloned.1.call-start
scs
__scs_entry_jumppad:
0x0: {  	(pc) =	sbr.rel $0x88, $3  }
0x1: {  	(tag) =	ssettag $0x0;
	lr =	simm.s32 $0x1  }
0x2: {  	[smem:$0x3F9D] =	sst lr;
	_ =	strace $0xD0000000  }
0x3: {  	_ = 	snop  }
0x4: {  	_ = 	snop  }
0x5: {  	_ = 	snop  }
0x6: {  	_ = 	snop  }
0x7: {  	_ = 	snop  }
__scs_overlays_trampoline_lowered:
0x8: {  	[smem:$0x3FAC] =	sst s0  }
0x9: {  	[smem:$0x3FAD] =	sst s1  }
0xa: {  	[smem:$0x3FAE] =	sst s2  }
0xb: {  	[smem:$0x3FAF] =	sst s3  }
0xc: {  	[smem:$0x3FB0] =	sst s4  }
0xd: {  	[smem:$0x3FB1] =	sst s5  }
0xe: {  	[smem:$0x3FB2] =	sst s6  }
0xf: {  	[smem:$0x3FB3] =	sst s7  }
0x10: {  	[smem:$0x3FB4] =	sst s8  }
0x11: {  	[smem:$0x3FB5] =	sst s9;
	s0 =	simm.s32 @!p0 $0x0  }
0x12: {  	s1 =	sld [smem:$0x3F9B];
	s0 =	simm.s32 @p0 $0x1  }
0x13: {  	[smem:$0x3FB6] =	sst s0;
	s0 =	simm.s32 @!p1 $0x0  }
0x14: {  	s2 =	sld [smem:$0x3F9A];
	s0 =	simm.s32 @p1 $0x1  }
0x15: {  	[smem:$0x3FB7] =	sst s0;
	s0 =	simm.s32 @!p2 $0x0  }
0x16: {  	s3 =	sld [smem:$0x3FDB];
	s0 =	simm.s32 @p2 $0x1  }
0x17: {  	s4 =	simm.s32 $0x1BF5;
	[smem:$0x3FB9] =	sst s0  }
0x18: {  	s0 =	sld [smem:$0x3F9C];
	_ =	swait.ge [sflag:s4], $0x0  }
0x19: {  	s7 =	sld [smem:$0x3F9D]  }
0x1a: {  	s8 =	sadd.s32 $0xFFFFE003, lr  }
0x1b: {  	s9 =	sadd.s32 $0xFFFFFEF7, lr;
	s5 =	simm.s32 $0xFFFFFFFF;
	p2 =	slt.u32 s8, $0xFFFFF086  }
0x1c: {  	p1 =	slt.u32 s9, $0xF7A;
	s5 =	simm.s32 @!p2 $0x0  }
0x1d: {  	s5 =	simm.s32 @p1 $0x1;
	p0 =	seq.s32 s7, s2  }
0x1e: {  	s7 =	smul.u32 @!p0 $0xF7A, s2;
	p2 =	seq.s32 @!p0 s5, $0x0  }
0x1f: {  	s9 =	smul.u32 $0xF7A, s1;
	s8 =	simm.s32 @!p0 $0x1BF5;
	p2 =	por !p2, p0  }
0x20: {  	[sflag:s8] =	ssyncset.s32 @!p0 $0xFFFFF086;
	s6 =	sadd.s32 @!p0 s3, s7;
	s7 =	simm.s32 @!p0 $0x108  }
0x21: {  	s3 =	sadd.s32 s3, s9;
	s6 =	sadd.s32 @!p0 $0x88, s6;
	s7 =	simm.s32 @p2 $0x1082  }
0x22: {  	[simem:s7], [sflag:s8] =	dma.local @!p0 [hbm:s6], $0xF7A  }
0x23: {  	s9 =	sor.u32 $0xD0000000, s2;
	s6 =	simm.s32 $0x108;
	_ =	swait.ge @!p0 [sflag:s8], $0x0  }
0x24: {  	s3 =	sadd.s32 $0x88, s3;
	s6 =	simm.s32 @!p1 $0x1082;
	[sflag:s4] =	ssyncset.s32 $0xFFFFF086  }
0x25: {  	[simem:s6], [sflag:s4] =	dma.local [hbm:s3], $0xF7A  }
0x26: {  	[smem:$0x3F9D] =	sst s1;
	(tag) =	ssettag s2;
	_ =	strace s9  }
0x27: {  	s1 =	sld [smem:$0x3FAD]  }
0x28: {  	s2 =	sld [smem:$0x3FAE]  }
0x29: {  	s4 =	sld [smem:$0x3FB0]  }
0x2a: {  	p0 =	seq.s32 s5, $0x0;
	s5 =	sld [smem:$0x3FB1]  }
0x2b: {  	s6 =	sld [smem:$0x3FB2]  }
0x2c: {  	s7 =	sld [smem:$0x3FB3]  }
0x2d: {  	s3 =	simm.s32 $0x108;
	s8 =	sld [smem:$0x3FB4]  }
0x2e: {  	s3 =	simm.s32 @!p0 $0x1082;
	s9 =	sld [smem:$0x3FB5]  }
0x2f: {  	lr =	sadd.s32 s0, s3;
	s0 =	sld [smem:$0x3FAC]  }
0x30: {  	s3 =	sld [smem:$0x3FAF]  }
0x31: {  	[smem:$0x3FB8] =	sst s10  }
0x32: {  	s10 =	sld [smem:$0x3FB6];
	_ =	sdelay $0x3  }
0x33: {  	p0 =	seq.s32 s10, $0x1;
	s10 =	sld [smem:$0x3FB8];
	_ =	sdelay $0x3  }
0x34: {  	[smem:$0x3FB8] =	sst s10  }
0x35: {  	s10 =	sld [smem:$0x3FB7];
	_ =	sdelay $0x3  }
0x36: {  	p1 =	seq.s32 s10, $0x1;
	s10 =	sld [smem:$0x3FB8];
	_ =	sdelay $0x3  }
0x37: {  	[smem:$0x3FB8] =	sst s10  }
0x38: {  	s10 =	sld [smem:$0x3FB9]  }
0x39: {  	_ = 	snop;
	(pc) =	sbr.ind lr, $3  }
0x3a: {  	_ = 	snop  }
0x3b: {  	_ = 	snop  }
0x3c: {  	p2 =	seq.s32 s10, $0x1;
	s10 =	sld [smem:$0x3FB8]  }
0x3d: {  	_ =	shalt  }
0x3e: {  	_ =	shalt  }
0x3f: {  	_ =	shalt  }
0x40: {  	_ =	shalt  }
0x41: {  	_ =	shalt  }
0x42: {  	_ =	shalt  }
0x43: {  	_ =	shalt  }
0x44: {  	_ =	shalt  }
0x45: {  	_ =	shalt  }
0x46: {  	_ =	shalt  }
0x47: {  	_ =	shalt  }
0x48: {  	_ =	shalt  }
0x49: {  	_ =	shalt  }
0x4a: {  	_ =	shalt  }
0x4b: {  	_ =	shalt  }
0x4c: {  	_ =	shalt  }
0x4d: {  	_ =	shalt  }
0x4e: {  	_ =	shalt  }
0x4f: {  	_ =	shalt  }
0x50: {  	_ =	shalt  }
0x51: {  	_ =	shalt  }
0x52: {  	_ =	shalt  }
0x53: {  	_ =	shalt  }
0x54: {  	_ =	shalt  }
0x55: {  	_ =	shalt  }
0x56: {  	_ =	shalt  }
0x57: {  	_ =	shalt  }
0x58: {  	_ =	shalt  }
0x59: {  	_ =	shalt  }
0x5a: {  	_ =	shalt  }
0x5b: {  	_ =	shalt  }
0x5c: {  	_ =	shalt  }
0x5d: {  	_ =	shalt  }
0x5e: {  	_ =	shalt  }
0x5f: {  	_ =	shalt  }
0x60: {  	_ =	shalt  }
0x61: {  	_ =	shalt  }
0x62: {  	_ =	shalt  }
0x63: {  	_ =	shalt  }
0x64: {  	_ =	shalt  }
0x65: {  	_ =	shalt  }
0x66: {  	_ =	shalt  }
0x67: {  	_ =	shalt  }
0x68: {  	_ =	shalt  }
0x69: {  	_ =	shalt  }
0x6a: {  	_ =	shalt  }
0x6b: {  	_ =	shalt  }
0x6c: {  	_ =	shalt  }
0x6d: {  	_ =	shalt  }
0x6e: {  	_ =	shalt  }
0x6f: {  	_ =	shalt  }
0x70: {  	_ =	shalt  }
0x71: {  	_ =	shalt  }
0x72: {  	_ =	shalt  }
0x73: {  	_ =	shalt  }
0x74: {  	_ =	shalt  }
0x75: {  	_ =	shalt  }
0x76: {  	_ =	shalt  }
0x77: {  	_ =	shalt  }
0x78: {  	_ =	shalt  }
0x79: {  	_ =	shalt  }
0x7a: {  	_ =	shalt  }
0x7b: {  	_ =	shalt  }
0x7c: {  	_ =	shalt  }
0x7d: {  	_ =	shalt  }
0x7e: {  	_ =	shalt  }
0x7f: {  	_ =	shalt  }
0x80: {  	_ =	shalt  }
0x81: {  	_ =	shalt  }
0x82: {  	_ =	shalt  }
0x83: {  	_ =	shalt  }
0x84: {  	_ =	shalt  }
0x85: {  	_ =	shalt  }
0x86: {  	_ =	shalt  }
0x87: {  	_ =	shalt  }
.Lfunc_end0:
.L_simem_size_0:
called_computation_lowered:
.L_overlay_start_0:
0x88: {  	s2 =	sld [smem:$0x3FD9]  }
0x89: {  	s3 =	sld [smem:$0x3FFE];
	_ =	sdelay $0x1  }
0x8a: {  	s1 =	srdreg.scid  }
0x8b: {  	s0 =	sand.u32 $0x1, s1  }
0x8c: {  	s17 =	sshll.u32 s0, $0xA;
	s2 =	sadd.s32 s3, s2  }
0x8d: {  	s2 =	sadd.s32 s2, s17  }
0x8e: {  	[smem:$0x3FC4] =	sst s2  }
0x8f: {  	_ = 	snop  }
0x90: {  	s2 =	sld [smem:$0x3FC9]  }
0x91: {  	s18 =	sld [smem:$0x3FD0];
	(tm) =	ssettm $0x1  }
0x92: {  	s4 =	sld [smem:$0x3FFB];
	_ =	sdelay $0x3  }
0x93: {  	_ =	strace s4  }
0x94: {  	s4 =	sld [smem:$0x3FFC];
	_ =	sdelay $0x3  }
0x95: {  	_ =	strace s4  }
0x96: {  	s4 =	sld [smem:$0x3FFD];
	_ =	sdelay $0x3  }
0x97: {  	_ =	strace s4  }
0x98: {  	_ =	strace $0x8FFFFFFF  }
0x99: {  	s19 =	sld [smem:$0x3FDB];
	_ =	sdelay $0x1  }
0x9a: {  	s5 =	simm.s32 $_scs_section_size  }
0x9b: {  	s6 =	simm.s32 $_size__tile_overlayer_lowered;
	s7 =	simm.s32 $_tile_overlayer_lowered  }
0x9c: {  	s22 =	simm.s32 $0x1BFF;
	s21 =	sshll.u32 s7, $0x1;
	s4 =	sadd.s32 s5, s19  }
0x9d: {  	s8 =	simm.s32 $0x0;
	s20 =	sshll.u32 s6, $0x1;
	s6 =	sadd.s32 s21, s4  }
0x9e: {  	[timem:s8], [sflag:s22] =	dma.local [hbm:s6], s20  }
0x9f: {  	_ =	swait.ge [sflag:s22], s20  }
0xa0: {  	s5 =	ssub.s32 $0x0, s20;
	[sflag:s22] =	ssyncset.done $0x0  }
0xa1: {  	[sflag:s22] =	ssyncadd.s32 s5;
	_ =	sdelay $0x1  }
0xa2: {  	s23 =	simm.s32 $0x1B8B  }
0xa3: {  	_ =	swait.ge [sflag:s23], $0x1  }
0xa4: {  	[sflag:s23] =	ssyncset.done $0x0  }
0xa5: {  	s25 =	simm.s32 $0x1B8E;
	s24 =	sld [smem:$0x3FFE];
	[sflag:s23] =	ssyncadd.s32 $0xFFFFFFFF  }
0xa6: {  	s26 =	simm.s32 $execute0_lowered;
	[smem:$0x3FD2] =	sst s25  }
0xa7: {  	s6 =	sshll.u32 s26, $0x1;
	_ =	strace $0x80000046;
	[dreg:$0x1] =	wrdreg $0xFFFFFFFF  }
0xa8: {  	s28 =	simm.s32 $_size_execute0_lowered;
	s4 =	sadd.s32 s4, s6;
	[dreg:$0x0] =	wrdreg $0x0  }
0xa9: {  	s6 =	sshll.u32 s28, $0x1;
	[dreg:$0x2] =	wrdreg s4  }
0xaa: {  	[dreg:$0x3] =	wrdreg s6  }
0xab: {  	[dreg:$0x4] =	wrdreg $0xC0  }
0xac: {  	_ =	task [dreg:s8], $0x5FFFF  }
0xad: {  	[dreg:$0x1] =	wrdreg $0xFFFFFFFF  }
0xae: {  	[dreg:$0x0] =	wrdreg $0x60  }
0xaf: {  	[dreg:$0x2] =	wrdreg s24  }
0xb0: {  	[dreg:$0x3] =	wrdreg s2  }
0xb1: {  	[dreg:$0x4] =	wrdreg s18  }
0xb2: {  	[dreg:$0x5] =	wrdreg $0x9  }
0xb3: {  	_ =	task.clear_ibuf [dreg:s8], $0x6FFFF;
	_ =	strace $0x90000046  }
0xb4: {  	s29 =	simm.s32 $0x9;
	_ =	strace $0x80000048  }
0xb5: {  	_ =	swait.ge [sflag:s29], $0x1  }
0xb6: {  	[sflag:s29] =	ssyncadd.s32 $0xFFFFFFFF  }
0xb7: {  	_ =	strace $0x90000048  }
0xb8: {  	_ =	sfence  }
0xb9: {  	s30 =	sld [smem:$0x0];
	_ =	sdelay $0x2  }
0xba: {  	s31 =	sshll.u32 s1, $0xD;
	s1 =	sshrl.u32 s1, $0x2  }
0xbb: {  	s3 =	sand.u32 $0x4000, s31;
	s1 =	sadd.s32 s1, s30  }
0xbc: {  	s0 =	sor.u32 s3, s0;
	s1 =	sshll.u32 s1, $0x11  }
0xbd: {  	s0 =	sor.u32 s1, s0  }
0xbe: {  	s0 =	sadd.s32 $0x8F2B, s0  }
0xbf: {  	[sflag:s0] =	ssyncadd.remote.s32 $0x1  }
0xc0: {  	_ =	sfence.sel $0xFFFF  }
0xc1: {  	[dreg:$0x0] =	wrdreg $0xFFFFFFFF;
	(pc) =	sbr.abs _section_cstart, $3  }
0xc2: {  	[dreg:$0x1] =	wrdreg $0xFFFFFFFF  }
0xc3: {  	_ =	task.clear_ibuf [dreg:s8], $0x2FFFF;
	_ =	strace $0x9FFFFFFF  }
0xc4: {  	(tm) =	ssettm $0x7FFFFFFF  }
0xc5: {  	_ =	shalt  }
tec
execute0_lowered:
.L_overlay_start_1:
0x0: {  	(tag) =	ssettag $0x1  }
0x1: {  	s0 =	rddreg [dreg:$0x0]  }
0x2: {  	s1 =	rddreg [dreg:$0x1]  }
0x3: {  	s12 =	rddreg [dreg:$0x2];
	s2 =	simm.s32 $0x0  }
0x4: {  	s3 =	srdreg.scid;
	s4 =	stileid.u32;
	s15 =	simm.s32 $0x5  }
0x5: {  	s16 =	simm.s32 $0x180;
	s17 =	simm.s32 $0x200;
	s20 =	simm.s32 $0x380  }
0x6: {  	s23 =	simm.s32 $0x18500;
	s24 =	simm.s32 $0x3;
	s28 =	simm.s32 $0x4  }
0x7: {  	s29 =	simm.s32 $0x2;
	s30 =	simm.s32 $0x0;
	[smem:$0x7FF] =	sst s2  }
0x8: {  	s5 =	sand.u32 $0x1, s3;
	s3 =	sadd.s32 $0x6DE400, s0;
	s6 =	sshll.u32 s4, $0xA  }
0x9: {  	s4 =	sadd.s32 $0x494400, s0;
	s7 =	sshll.u32 s5, $0x9;
	s5 =	ssub.s32 $0x2, s5  }
0xa: {  	s0 =	sadd.s32 $0x600, s0;
	s6 =	sor.u32 s7, s6;
	s25 =	sshrl.u32 s5, $0x1  }
0xb: {  	_ =	strace $0x80000047;
	s8 =	sshrl.u32 s6, $0x3;
	s14 =	ssub.s32 s5, s25  }
0xc: {  	s26 =	sshll.u32 s6, $0x3;
	s25 =	simm.s32 $0x1;
	s1 =	sadd.s32 s1, s8  }
0xd: {  	s31 =	sadd.s32 s12, s26;
	s7 =	sadd.s32 s0, s26;
	s9 =	sor.u32 $0x400, s26  }
0xe: {  	s11 =	sor.u32 $0x800, s26;
	s14 =	smax.u32 s14, $0x1;
	[dreg:$0x4] =	wrdreg s1  }
0xf: {  	[dreg:$0x5] =	wrdreg s31;
	s8 =	sadd.s32 s12, s9;
	s9 =	sadd.s32 s0, s9  }
0x10: {  	s10 =	sadd.s32 s12, s11;
	s11 =	sadd.s32 s0, s11;
	s1 =	sor.u32 $0xC00, s26  }
0x11: {  	s26 =	simm.s32 $0x1A500;
	s12 =	sadd.s32 s12, s1;
	s13 =	sadd.s32 s0, s1  }
.LBB2_1:
0x12: {  	s0 =	rddreg [dreg:$0x4]  }
0x13: {  	[tilespmem:s2], [sflag:$0x5] =	stream.linear.gather [hbm4b:s0+s2], $0x200, $0x38;
	[tilespmem:$0x1C500] =	vst v63  }
0x14: {  	_ =	swait.ge [sflag:s15], $0x200  }
0x15: {  	[sflag:s15] =	ssyncset.done $0x0  }
0x16: {  	[sflag:s15] =	ssyncadd.s32 $0xFFFFFE00  }
0x17: {  	v0 =	vld [tilespmem:$0x0]  }
0x18: {  	v1 =	vld [tilespmem:$0x10];
	_ =	sdelay $0x1  }
0x19: {  	v2 =	vld [tilespmem:$0x20];
	_ =	sdelay $0x1  }
0x1a: {  	v0 =	vmul.u32 $0x3, v0  }
0x1b: {  	v1 =	vmul.u32 $0x3, v1  }
0x1c: {  	[tilespmem:$0x200] =	vst v0  }
0x1d: {  	v2 =	vmul.u32 $0x3, v2;
	v3 =	vadd.s32 $0x1, v0;
	v0 =	vadd.s32 $0x2, v0;
	[tilespmem:$0x210] =	vst v1  }
0x1e: {  	[tilespmem:$0x300] =	vst v0;
	v0 =	vld [tilespmem:$0x30]  }
0x1f: {  	[tilespmem:$0x220] =	vst v2  }
0x20: {  	[tilespmem:$0x280] =	vst v3;
	v3 =	vadd.s32 $0x1, v1;
	v1 =	vadd.s32 $0x2, v1  }
0x21: {  	[tilespmem:$0x310] =	vst v1;
	v1 =	vld [tilespmem:$0x40]  }
0x22: {  	[tilespmem:$0x290] =	vst v3;
	v3 =	vadd.s32 $0x1, v2  }
0x23: {  	v2 =	vadd.s32 $0x2, v2;
	[tilespmem:$0x2A0] =	vst v3;
	v0 =	vmul.u32 $0x3, v0  }
0x24: {  	[tilespmem:$0x320] =	vst v2;
	v2 =	vld [tilespmem:$0x50]  }
0x25: {  	[tilespmem:$0x230] =	vst v0;
	v3 =	vadd.s32 $0x1, v0  }
0x26: {  	v1 =	vmul.u32 $0x3, v1;
	v0 =	vadd.s32 $0x2, v0;
	[tilespmem:$0x2B0] =	vst v3  }
0x27: {  	[tilespmem:$0x330] =	vst v0;
	v0 =	vld [tilespmem:$0x60]  }
0x28: {  	[tilespmem:$0x240] =	vst v1;
	v3 =	vadd.s32 $0x1, v1  }
0x29: {  	v2 =	vmul.u32 $0x3, v2;
	v1 =	vadd.s32 $0x2, v1;
	[tilespmem:$0x2C0] =	vst v3  }
0x2a: {  	[tilespmem:$0x340] =	vst v1;
	v1 =	vld [tilespmem:$0x70]  }
0x2b: {  	[tilespmem:$0x250] =	vst v2;
	v3 =	vadd.s32 $0x1, v2  }
0x2c: {  	v2 =	vadd.s32 $0x2, v2;
	[tilespmem:$0x2D0] =	vst v3;
	v0 =	vmul.u32 $0x3, v0  }
0x2d: {  	[tilespmem:$0x350] =	vst v2  }
0x2e: {  	[tilespmem:$0x260] =	vst v0;
	v2 =	vadd.s32 $0x1, v0  }
0x2f: {  	v1 =	vmul.u32 $0x3, v1;
	v0 =	vadd.s32 $0x2, v0;
	[tilespmem:$0x2E0] =	vst v2  }
0x30: {  	[tilespmem:$0x360] =	vst v0  }
0x31: {  	[tilespmem:$0x270] =	vst v1;
	v0 =	vadd.s32 $0x1, v1  }
0x32: {  	[tilespmem:$0x2F0] =	vst v0;
	v0 =	vadd.s32 $0x2, v1  }
0x33: {  	s5 =	simm.s32 $0x500;
	[tilespmem:$0x370] =	vst v0  }
0x34: {  	[tilespmem:s5], [sflag:$0x1] =	stream.indirect.gather [hbm4b:s3+s16], $0x40, s17, s16, $0xb8;
	[tilespmem:$0x1C500] =	vst v63  }
0x35: {  	s6 =	simm.s32 $0xC500  }
0x36: {  	[tilespmem:s6], [sflag:$0x3] =	stream.indirect.gather [hbm4b:s4+s16], $0x40, s17, s16, $0xb8;
	[tilespmem:$0x1C500] =	vst v63  }
0x37: {  	v0 =	vld [tilespmem:$0x80]  }
0x38: {  	v1 =	vld [tilespmem:$0x90];
	_ =	sdelay $0x1  }
0x39: {  	v2 =	vld [tilespmem:$0xA0];
	_ =	sdelay $0x1  }
0x3a: {  	v0 =	vmul.u32 $0x3, v0  }
0x3b: {  	v1 =	vmul.u32 $0x3, v1  }
0x3c: {  	[tilespmem:$0x380] =	vst v0  }
0x3d: {  	v2 =	vmul.u32 $0x3, v2;
	v3 =	vadd.s32 $0x1, v0;
	v0 =	vadd.s32 $0x2, v0;
	[tilespmem:$0x390] =	vst v1  }
0x3e: {  	[tilespmem:$0x480] =	vst v0;
	v0 =	vld [tilespmem:$0xB0]  }
0x3f: {  	[tilespmem:$0x3A0] =	vst v2  }
0x40: {  	[tilespmem:$0x400] =	vst v3;
	v3 =	vadd.s32 $0x1, v1;
	v1 =	vadd.s32 $0x2, v1  }
0x41: {  	[tilespmem:$0x490] =	vst v1;
	v1 =	vld [tilespmem:$0xC0]  }
0x42: {  	[tilespmem:$0x410] =	vst v3;
	v3 =	vadd.s32 $0x1, v2  }
0x43: {  	v2 =	vadd.s32 $0x2, v2;
	[tilespmem:$0x420] =	vst v3;
	v0 =	vmul.u32 $0x3, v0  }
0x44: {  	[tilespmem:$0x4A0] =	vst v2;
	v2 =	vld [tilespmem:$0xD0]  }
0x45: {  	[tilespmem:$0x3B0] =	vst v0;
	v3 =	vadd.s32 $0x1, v0  }
0x46: {  	v1 =	vmul.u32 $0x3, v1;
	v0 =	vadd.s32 $0x2, v0;
	[tilespmem:$0x430] =	vst v3  }
0x47: {  	[tilespmem:$0x4B0] =	vst v0;
	v0 =	vld [tilespmem:$0xE0]  }
0x48: {  	[tilespmem:$0x3C0] =	vst v1;
	v3 =	vadd.s32 $0x1, v1  }
0x49: {  	v2 =	vmul.u32 $0x3, v2;
	v1 =	vadd.s32 $0x2, v1;
	[tilespmem:$0x440] =	vst v3  }
0x4a: {  	[tilespmem:$0x4C0] =	vst v1;
	v1 =	vld [tilespmem:$0xF0]  }
0x4b: {  	[tilespmem:$0x3D0] =	vst v2;
	v3 =	vadd.s32 $0x1, v2  }
0x4c: {  	v2 =	vadd.s32 $0x2, v2;
	[tilespmem:$0x450] =	vst v3;
	v0 =	vmul.u32 $0x3, v0  }
0x4d: {  	[tilespmem:$0x4D0] =	vst v2  }
0x4e: {  	[tilespmem:$0x3E0] =	vst v0;
	v2 =	vadd.s32 $0x1, v0  }
0x4f: {  	v1 =	vmul.u32 $0x3, v1;
	v0 =	vadd.s32 $0x2, v0;
	[tilespmem:$0x460] =	vst v2  }
0x50: {  	[tilespmem:$0x4E0] =	vst v0  }
0x51: {  	[tilespmem:$0x3F0] =	vst v1;
	v0 =	vadd.s32 $0x1, v1  }
0x52: {  	[tilespmem:$0x470] =	vst v0;
	v0 =	vadd.s32 $0x2, v1  }
0x53: {  	s18 =	simm.s32 $0x6500;
	[tilespmem:$0x4F0] =	vst v0  }
0x54: {  	[tilespmem:s18], [sflag:$0x2] =	stream.indirect.gather [hbm4b:s3+s16], $0x40, s20, s16, $0xb8;
	[tilespmem:$0x1C500] =	vst v63  }
0x55: {  	s19 =	simm.s32 $0x12500  }
0x56: {  	[tilespmem:s19], [sflag:$0x4] =	stream.indirect.gather [hbm4b:s4+s16], $0x40, s20, s16, $0xb8;
	[tilespmem:$0x1C500] =	vst v63  }
0x57: {  	s21 =	rddreg [dreg:$0x5]  }
0x58: {  	[tilespmem:s23], [sflag:$0x5] =	stream.linear.gather [hbm4b:s21+s2], $0x2000, $0x38;
	[tilespmem:$0x1C500] =	vst v63  }
0x59: {  	_ =	swait.ge [sflag:s15], $0x2000  }
0x5a: {  	[sflag:s15] =	ssyncset.done $0x0  }
0x5b: {  	[sflag:s15] =	ssyncadd.s32 $0xFFFFE000  }
0x5c: {  	_ =	swait.ge [sflag:s24], $0x6000  }
0x5d: {  	[sflag:s24] =	ssyncset.done $0x0  }
0x5e: {  	[sflag:s24] =	ssyncadd.s32 $0xFFFFA000  }
0x5f: {  	_ =	swait.ge [sflag:s25], $0x6000  }
0x60: {  	[sflag:s25] =	ssyncset.done $0x0  }
0x61: {  	s0 =	simm.s32 $0x0;
	[sflag:s25] =	ssyncadd.s32 $0xFFFFA000  }
0x62: {  	v0 =	vld [tilespmem:s0+$0xC530]  }
0x63: {  	v1 =	vld [tilespmem:s0+$0xC520]  }
0x64: {  	v2 =	vld [tilespmem:s0+$0xC500]  }
0x65: {  	v3 =	vld [tilespmem:s0+$0xC510]  }
0x66: {  	v4 =	vld [tilespmem:s0+$0x18500]  }
0x67: {  	v5 =	vld [tilespmem:s0+$0x18510]  }
0x68: {  	v6 =	vld [tilespmem:s0+$0x18520]  }
0x69: {  	v7 =	vld [tilespmem:s0+$0xE500]  }
0x6a: {  	v8 =	vld [tilespmem:s0+$0xE510]  }
0x6b: {  	v9 =	vld [tilespmem:s0+$0x18530]  }
0x6c: {  	v10 =	vld [tilespmem:s0+$0x10500]  }
0x6d: {  	v11 =	vld [tilespmem:s0+$0x10510]  }
0x6e: {  	v12 =	vld [tilespmem:s0+$0xE520]  }
0x6f: {  	v13 =	vld [tilespmem:s0+$0x10520];
	v2 =	vmul.f32 v2, v4;
	v3 =	vmul.f32 v3, v5  }
0x70: {  	v14 =	vld [tilespmem:s0+$0xE530];
	v1 =	vmul.f32 v1, v6  }
0x71: {  	v15 =	vld [tilespmem:s0+$0x10530];
	v2 =	vadd.f32 v3, v2;
	v3 =	vmul.f32 v7, v4;
	v7 =	vmul.f32 v8, v5  }
0x72: {  	v4 =	vmul.f32 v10, v4;
	v5 =	vmul.f32 v11, v5  }
0x73: {  	v1 =	vadd.f32 v1, v2;
	v2 =	vadd.f32 v7, v3;
	v3 =	vmul.f32 v12, v6  }
0x74: {  	v0 =	vmul.f32 v0, v9;
	v4 =	vadd.f32 v5, v4;
	v5 =	vmul.f32 v13, v6  }
0x75: {  	v2 =	vadd.f32 v3, v2;
	v3 =	vmul.f32 v14, v9  }
0x76: {  	v0 =	vadd.f32 v0, v1;
	v1 =	vadd.f32 v5, v4;
	v4 =	vmul.f32 v15, v9  }
0x77: {  	v16 =	vld [tilespmem:s0+$0x500];
	v2 =	vadd.f32 v3, v2  }
0x78: {  	s31 =	simm.s32 $0x40;
	v17 =	vld [tilespmem:s0+$0x510];
	(xrf2) =	vadd.scan.msk.f32 $0xffff, v0;
	v0 =	vadd.f32 v4, v1  }
0x79: {  	v18 =	vld [tilespmem:s31+$0x18520];
	(xrf2) =	vadd.scan.msk.f32 $0xffff, v2  }
0x7a: {  	v19 =	vld [tilespmem:s31+$0xE510];
	(xrf2) =	vadd.scan.msk.f32 $0xffff, v0  }
0x7b: {  	v20 =	vld [tilespmem:s31+$0x18530]  }
0x7c: {  	v21 =	vld [tilespmem:s31+$0x10500]  }
0x7d: {  	v22 =	vld [tilespmem:s31+$0x10510]  }
0x7e: {  	v23 =	vld [tilespmem:s31+$0xE530]  }
0x7f: {  	v24 =	vld [tilespmem:s31+$0x10520]  }
0x80: {  	s1 =	simm.s32 $0x80;
	v25 =	vld [tilespmem:s31+$0x10530]  }
0x81: {  	v27 =	vld [tilespmem:s1+$0xC520]  }
0x82: {  	v26 =	vld [tilespmem:s1+$0xC510];
	v7, _, _ =	vpop (xrf2)  }
0x83: {  	v9 =	vld [tilespmem:s31+$0x18510];
	v10, _, _ =	vpop (xrf2)  }
0x84: {  	v3 =	vld [tilespmem:s31+$0xC510];
	(v2sf) =	vpush v10, $0xF;
	v10, _, _ =	vpop (xrf2)  }
0x85: {  	v4 =	vld [tilespmem:s31+$0x18500];
	(v2sf) =	vpush v10, $0xF  }
0x86: {  	v2 =	vld [tilespmem:s31+$0xC500];
	(v2sf) =	vpush v7, $0xF  }
0x87: {  	v14 =	vld [tilespmem:s31+$0xE500]  }
0x88: {  	v1 =	vld [tilespmem:s31+$0xC520]  }
0x89: {  	v0 =	vld [tilespmem:s31+$0xC530]  }
0x8a: {  	v7 =	vld [tilespmem:s31+$0xE520]  }
0x8b: {  	v8 =	vld [tilespmem:s0+$0x2500];
	v3 =	vmul.f32 v3, v9;
	v2 =	vmul.f32 v2, v4  }
0x8c: {  	v11 =	vld [tilespmem:s0+$0x4500];
	v19 =	vmul.f32 v19, v9  }
0x8d: {  	v12 =	vld [tilespmem:s0+$0x520];
	v1 =	vmul.f32 v1, v18;
	v2 =	vadd.f32 v3, v2;
	v3 =	vmul.f32 v14, v4  }
0x8e: {  	v6 =	vld [tilespmem:s0+$0x2520];
	v4 =	vmul.f32 v21, v4;
	v21 =	vmul.f32 v22, v9  }
0x8f: {  	v13 =	vld [tilespmem:s0+$0x4510];
	v0 =	vmul.f32 v0, v20;
	v3 =	vadd.f32 v19, v3;
	v7 =	vmul.f32 v7, v18  }
0x90: {  	v15 =	vld [tilespmem:s0+$0x2510];
	v1 =	vadd.f32 v1, v2;
	v19 =	vadd.f32 v21, v4;
	v18 =	vmul.f32 v24, v18  }
0x91: {  	v5 =	vld [tilespmem:s0+$0x4520];
	v3 =	vadd.f32 v7, v3;
	v7 =	vmul.f32 v23, v20  }
0x92: {  	v14 =	vld [tilespmem:s31+$0x2500];
	v1 =	vadd.f32 v0, v1;
	v18 =	vadd.f32 v18, v19;
	v19 =	vmul.f32 v25, v20  }
0x93: {  	v9 =	vld [tilespmem:s31+$0x510];
	v3 =	vadd.f32 v7, v3;
	s18 =	spop (v2sf)  }
0x94: {  	v22 =	vld [tilespmem:s1+$0x18510];
	(xrf2) =	vadd.scan.msk.f32 $0xffff, v1;
	v18 =	vadd.f32 v19, v18;
	s19 =	spop (v2sf)  }
0x95: {  	v2 =	vld [tilespmem:s31+$0x2510];
	(xrf2) =	vadd.scan.msk.f32 $0xffff, v3;
	s21 =	smax.f32 s18, s19;
	s22 =	spop (v2sf)  }
0x96: {  	v4 =	vld [tilespmem:s31+$0x520];
	(xrf2) =	vadd.scan.msk.f32 $0xffff, v18;
	s21 =	smax.f32 s22, s21  }
0x97: {  	v0 =	vld [tilespmem:s31+$0x2520];
	s22 =	ssub.f32 s22, s21  }
0x98: {  	v10 =	vld [tilespmem:s31+$0x500];
	s18 =	ssub.f32 s18, s21  }
0x99: {  	v32 =	vmul.f32 v26, v22;
	v26 =	vld [tilespmem:s1+$0x10500];
	v19 =	vmov s22  }
0x9a: {  	v1 =	vld [tilespmem:s31+$0x4510];
	v21 =	vmov s18;
	s22 =	ssub.f32 s19, s21;
	v19 =	vmul.f32 $1.442695020e+00, v19  }
0x9b: {  	v25 =	vld [tilespmem:s1+$0xC500];
	v21 =	vmul.f32 $1.442695020e+00, v21  }
0x9c: {  	v20 =	vld [tilespmem:s1+$0x18500];
	v23 =	vmov s22;
	v24 =	vbroadcast v19, $0x0  }
0x9d: {  	v7 =	vld [tilespmem:s31+$0x4500];
	v21 =	vbroadcast v21, $0x0;
	v28 =	vmul.f32 $1.442695020e+00, v23  }
0x9e: {  	v29, _, _ =	vpop (xrf2);
	v18 =	vld [tilespmem:s1+$0xC530];
	(erf) = vpow2.f32 v24  }
0x9f: {  	v30, _, _ =	vpop (xrf2);
	v19 =	vld [tilespmem:s1+$0x18520];
	v28 =	vbroadcast v28, $0x0;
	(erf) = vpow2.f32 v21  }
0xa0: {  	v23 =	vld [tilespmem:s1+$0xE500];
	(v2sf) =	vpush v30, $0xF;
	v30, _, _ =	vpop (xrf2)  }
0xa1: {  	(v2sf) =	vpush v30, $0xF;
	v24 =	vld [tilespmem:s1+$0xE510];
	(erf) = vpow2.f32 v28  }
0xa2: {  	(v2sf) =	vpush v29, $0xF;
	v21 =	vld [tilespmem:s1+$0x18530]  }
0xa3: {  	v3 =	vld [tilespmem:s31+$0x4520];
	v31 =	vmul.f32 v25, v20  }
0xa4: {  	v25 =	vld [tilespmem:s1+$0xE520]  }
0xa5: {  	s18 =	simm.s32 $0x300;
	v28 =	vadd.f32 v32, v31;
	v29 =	vmul.f32 v27, v19;
	v27 =	vld [tilespmem:s1+$0x10510]  }
.LBB2_2:
0xa6: {  	p0 =	sne.s32 s18, $0x7F00;
	v23 =	vmul.f32 v23, v20;
	v24 =	vmul.f32 v24, v22;
	v30 =	vld [tilespmem:s1+$0xE530]  }
0xa7: {  	v28 =	vadd.f32 v29, v28;
	v18 =	vmul.f32 v18, v21;
	v29 =	vld [tilespmem:s1+$0x10520];
	v31 =	vpop (erf)  }
0xa8: {  	v23 =	vadd.f32 v24, v23;
	v24 =	vld [tilespmem:s1+$0x500];
	v32 =	vmul.f32 v31, v16;
	v33 =	vmul.f32 v31, v17;
	v34 =	vpop (erf)  }
0xa9: {  	v25 =	vmul.f32 v25, v19;
	v16 =	vmovc v10;
	v18 =	vadd.f32 v18, v28;
	v28 =	vld [tilespmem:s1+$0x10530];
	v35 =	vadd.f32 v34, v31  }
0xaa: {  	v17 =	vmov v9;
	v36 =	vmul.f32 v26, v20;
	v20 =	vmul.f32 v27, v22;
	v22 =	vld [tilespmem:s1+$0x2500];
	v26 =	vpop (erf)  }
0xab: {  	v9 =	vadd.f32 v25, v23;
	v23 =	vmul.f32 v30, v21;
	(xrf2) =	vadd.scan.msk.f32 $0xffff, v18;
	v18 =	vadd.f32 v35, v26;
	v25 =	vld [tilespmem:s0+$0x530]  }
0xac: {  	v27 =	vmul.f32 v34, v8;
	v8 =	vmovc v14;
	v20 =	vadd.f32 v20, v36;
	v19 =	vmul.f32 v29, v19;
	v29 =	vld [tilespmem:s0+$0x2530]  }
0xad: {  	v30 =	vadd.f32 v23, v9;
	v9 =	vld [tilespmem:s1+$0x510];
	v23 =	vmul.f32 v34, v15;
	(erf) = vrcp.f32 v18;
	v10 =	vmovc v24;
	v15 =	vmovc v2  }
0xae: {  	v18 =	vadd.f32 v19, v20;
	v19 =	vmul.f32 v28, v21;
	v20 =	vmul.f32 v31, v12;
	v21 =	vld [tilespmem:s0+$0x4530];
	v12 =	vmovc v4  }
0xaf: {  	v24 =	vadd.f32 v27, v32;
	v27 =	vmul.f32 v34, v6;
	v2 =	vld [tilespmem:s1+$0x2510];
	(xrf2) =	vadd.scan.msk.f32 $0xffff, v30;
	s19 =	spop (v2sf);
	v23 =	vadd.f32 v23, v33  }
0xb0: {  	v28 =	vmul.f32 v26, v11;
	v30 =	vmul.f32 v26, v13;
	v14 =	vmovc v22;
	v18 =	vadd.f32 v19, v18;
	v4 =	vld [tilespmem:s1+$0x520];
	s21 =	spop (v2sf)  }
0xb1: {  	v6 =	vmovc v0;
	v19 =	vadd.f32 v27, v20;
	v20 =	vmul.f32 v25, v31;
	s22 =	smax.f32 s19, s21;
	s5 =	spop (v2sf);
	v22 =	vmul.f32 v29, v34;
	v0 =	vld [tilespmem:s1+$0x2520]  }
0xb2: {  	v24 =	vadd.f32 v24, v28;
	v23 =	vadd.f32 v23, v30;
	v25 =	vld [tilespmem:s1+$0x4500];
	(xrf2) =	vadd.scan.msk.f32 $0xffff, v18;
	s22 =	smax.f32 s5, s22;
	v18 =	vmul.f32 v26, v5  }
0xb3: {  	v11 =	vmovc v7;
	v13 =	vmovc v1;
	v5 =	vmov v3;
	s5 =	ssub.f32 s5, s22;
	v20 =	vadd.f32 v22, v20;
	v22 =	vmul.f32 v21, v26;
	v1 =	vld [tilespmem:s1+$0x4510]  }
0xb4: {  	s6 =	sshra.s32 s18, $0x2;
	s19 =	ssub.f32 s19, s22;
	v3 =	vld [tilespmem:s1+$0x4520];
	v26 =	vadd.f32 v19, v18  }
0xb5: {  	v18 =	vld [tilespmem:s6+$0xC530];
	v27, _, _ =	vpop (xrf2);
	v31 =	vmov s5;
	v19 =	vadd.f32 v22, v20  }
0xb6: {  	v30 =	vmov s19;
	s5 =	ssub.f32 s21, s22;
	v29 =	vld [tilespmem:s6+$0xC520];
	v20 =	vmul.f32 $1.442695020e+00, v31;
	v21 =	vpop (erf)  }
0xb7: {  	v22 =	vmul.f32 $1.442695020e+00, v30;
	v28 =	vld [tilespmem:s6+$0xC500];
	v19 =	vmul.f32 v19, v21;
	v7 =	vmov v25  }
0xb8: {  	v31 =	vmov s5;
	v24 =	vmul.f32 v21, v24;
	v25 =	vld [tilespmem:s6+$0xC510];
	v30 =	vbroadcast v20, $0x0  }
0xb9: {  	v33 =	vbroadcast v22, $0x0;
	v34 =	vmul.f32 $1.442695020e+00, v31;
	v20 =	vld [tilespmem:s6+$0x18500];
	v32, _, _ =	vpop (xrf2);
	[tilespmem:s0+$0x1A530] =	vst v19  }
0xba: {  	v22 =	vld [tilespmem:s6+$0x18510];
	(erf) = vpow2.f32 v30;
	[tilespmem:s0+$0x1A500] =	vst v24;
	v24 =	vmul.f32 v21, v23  }
0xbb: {  	v30 =	vbroadcast v34, $0x0;
	v19 =	vld [tilespmem:s6+$0x18520];
	(erf) = vpow2.f32 v33  }
0xbc: {  	v26 =	vmul.f32 v21, v26;
	v23 =	vld [tilespmem:s6+$0xE500];
	(v2sf) =	vpush v32, $0xF;
	v31, _, _ =	vpop (xrf2);
	[tilespmem:s0+$0x1A510] =	vst v24  }
.Ltmp0:
0xbd: {  	v24 =	vld [tilespmem:s6+$0xE510];
	(v2sf) =	vpush v31, $0xF;
	(erf) = vpow2.f32 v30;
	(pc) =	sbr.rel @p0 .LBB2_2-.Ltmp0, $4  }
0xbe: {  	v21 =	vld [tilespmem:s6+$0x18530];
	(v2sf) =	vpush v27, $0xF;
	[tilespmem:s0+$0x1A520] =	vst v26;
	s0 =	smov.u32 s31;
	s31 =	smov.u32 s1;
	s1 =	smov.u32 s6  }
0xbf: {  	v27 =	vmul.f32 v28, v20;
	v28 =	vmul.f32 v25, v22;
	v25 =	vld [tilespmem:s1+$0xE520]  }
0xc0: {  	v26 =	vld [tilespmem:s1+$0x10500]  }
0xc1: {  	s18 =	sadd.s32 $0x100, s18;
	v29 =	vmul.f32 v29, v19;
	v28 =	vadd.f32 v28, v27;
	v27 =	vld [tilespmem:s1+$0x10510]  }
0xc2: {  	_ = 	snop  }
0xc3: {  	v30 =	vld [tilespmem:s1+$0x10520]  }
0xc4: {  	v31 =	vld [tilespmem:s1+$0xE530]  }
0xc5: {  	v23 =	vmul.f32 v23, v20;
	v24 =	vmul.f32 v24, v22;
	v32 =	vld [tilespmem:s1+$0x10530]  }
0xc6: {  	v20 =	vmul.f32 v26, v20;
	v22 =	vmul.f32 v27, v22  }
0xc7: {  	v18 =	vmul.f32 v18, v21;
	v23 =	vadd.f32 v24, v23;
	v24 =	vmul.f32 v25, v19  }
0xc8: {  	v26 =	vadd.f32 v29, v28;
	v19 =	vmul.f32 v30, v19;
	v20 =	vadd.f32 v22, v20  }
0xc9: {  	v22 =	vadd.f32 v24, v23;
	v23 =	vmul.f32 v31, v21  }
0xca: {  	v18 =	vadd.f32 v18, v26;
	v19 =	vadd.f32 v19, v20;
	v20 =	vmul.f32 v32, v21  }
0xcb: {  	v21 =	vadd.f32 v23, v22  }
0xcc: {  	(xrf2) =	vadd.scan.msk.f32 $0xffff, v18;
	v18 =	vadd.f32 v20, v19  }
0xcd: {  	(xrf2) =	vadd.scan.msk.f32 $0xffff, v21  }
0xce: {  	(xrf2) =	vadd.scan.msk.f32 $0xffff, v18;
	_ =	sdelay $0x4  }
0xcf: {  	v18 =	vpop (erf)  }
0xd0: {  	s5 =	spop (v2sf);
	v19 =	vpop (erf)  }
0xd1: {  	s6 =	spop (v2sf);
	v20 =	vpop (erf)  }
0xd2: {  	v24 =	vld [tilespmem:s0+$0x530];
	s18 =	smax.f32 s5, s6;
	s19 =	spop (v2sf);
	v22 =	vadd.f32 v19, v18;
	v21, _, _ =	vpop (xrf2)  }
0xd3: {  	v25 =	vld [tilespmem:s0+$0x2530];
	s18 =	smax.f32 s19, s18;
	v16 =	vmul.f32 v18, v16;
	v17 =	vmul.f32 v18, v17;
	v23, _, _ =	vpop (xrf2)  }
0xd4: {  	s19 =	ssub.f32 s19, s18;
	v12 =	vmul.f32 v18, v12;
	v22 =	vadd.f32 v22, v20;
	(v2sf) =	vpush v23, $0xF;
	v23, _, _ =	vpop (xrf2)  }
0xd5: {  	s5 =	ssub.f32 s5, s18;
	v8 =	vmul.f32 v19, v8;
	v15 =	vmul.f32 v19, v15;
	(v2sf) =	vpush v23, $0xF  }
0xd6: {  	s18 =	ssub.f32 s6, s18;
	(erf) = vrcp.f32 v22;
	v22 =	vmov s19;
	(v2sf) =	vpush v21, $0xF  }
0xd7: {  	v18 =	vmul.f32 v24, v18;
	v22 =	vmul.f32 $1.442695020e+00, v22;
	v23 =	vmov s5  }
0xd8: {  	v26 =	vmov s18;
	v25 =	vmul.f32 v25, v19;
	v23 =	vmul.f32 $1.442695020e+00, v23  }
0xd9: {  	v26 =	vmul.f32 $1.442695020e+00, v26;
	v22 =	vbroadcast v22, $0x0  }
0xda: {  	v28 =	vld [tilespmem:s1+$0x510];
	v6 =	vmul.f32 v19, v6;
	v23 =	vbroadcast v23, $0x0  }
0xdb: {  	v11 =	vmul.f32 v20, v11;
	v21 =	vld [tilespmem:s0+$0x4530];
	(erf) = vpow2.f32 v22  }
0xdc: {  	v27 =	vld [tilespmem:s1+$0x2500];
	v8 =	vadd.f32 v8, v16;
	v22 =	vbroadcast v26, $0x0;
	(erf) = vpow2.f32 v23  }
0xdd: {  	v24 =	vld [tilespmem:s1+$0x500];
	v13 =	vmul.f32 v20, v13;
	v5 =	vmul.f32 v20, v5;
	v6 =	vadd.f32 v6, v12  }
0xde: {  	v19 =	vld [tilespmem:s1+$0x2520];
	v15 =	vadd.f32 v15, v17;
	v8 =	vadd.f32 v8, v11;
	(erf) = vpow2.f32 v22  }
0xdf: {  	v18 =	vadd.f32 v25, v18;
	v17 =	vld [tilespmem:s1+$0x520];
	v5 =	vadd.f32 v6, v5;
	v11 =	vpop (erf)  }
0xe0: {  	v12 =	vld [tilespmem:s1+$0x4500];
	v13 =	vadd.f32 v15, v13;
	v16 =	vmul.f32 v21, v20;
	v6 =	vmul.f32 v11, v8  }
0xe1: {  	v15 =	vld [tilespmem:s1+$0x4510];
	v5 =	vmul.f32 v11, v5  }
0xe2: {  	v21 =	vld [tilespmem:s1+$0x2510];
	v8 =	vmul.f32 v11, v13;
	v16 =	vadd.f32 v16, v18  }
0xe3: {  	v18 =	vld [tilespmem:s1+$0x4520];
	[tilespmem:s0+$0x1A500] =	vst v6;
	s5 =	spop (v2sf)  }
0xe4: {  	[tilespmem:s0+$0x1A510] =	vst v8;
	v16 =	vmul.f32 v16, v11;
	v6 =	vpop (erf);
	s6 =	spop (v2sf)  }
0xe5: {  	[tilespmem:s0+$0x1A520] =	vst v5;
	v5 =	vpop (erf);
	s19 =	smax.f32 s5, s6;
	s21 =	spop (v2sf)  }
0xe6: {  	[tilespmem:s0+$0x1A530] =	vst v16;
	v8 =	vadd.f32 v5, v6;
	s22 =	smax.f32 s21, s19  }
0xe7: {  	v10 =	vmul.f32 v6, v10;
	v11 =	vld [tilespmem:s31+$0x530];
	v13 =	vpop (erf);
	s18 =	ssub.f32 s21, s22  }
0xe8: {  	v9 =	vmul.f32 v6, v9;
	v4 =	vmul.f32 v6, v4;
	v8 =	vadd.f32 v8, v13;
	s5 =	ssub.f32 s5, s22  }
0xe9: {  	v16 =	vld [tilespmem:s31+$0x2530];
	v14 =	vmul.f32 v5, v14;
	v2 =	vmul.f32 v5, v2  }
0xea: {  	s0 =	ssub.f32 s6, s22;
	(erf) = vrcp.f32 v8;
	v20 =	vmov s18;
	v22 =	vmov s5  }
0xeb: {  	v20 =	vmul.f32 $1.442695020e+00, v20;
	v8 =	vmul.f32 $1.442695020e+00, v22;
	v22 =	vld [tilespmem:s31+$0x4530]  }
0xec: {  	v0 =	vmul.f32 v5, v0;
	v11 =	vmul.f32 v11, v6;
	v23 =	vmov s0  }
0xed: {  	v23 =	vmul.f32 $1.442695020e+00, v23;
	v20 =	vbroadcast v20, $0x0  }
0xee: {  	v16 =	vmul.f32 v16, v5;
	v8 =	vbroadcast v8, $0x0  }
0xef: {  	(erf) = vpow2.f32 v20;
	v20 =	vbroadcast v23, $0x0  }
0xf0: {  	v6 =	vadd.f32 v16, v11;
	(erf) = vpow2.f32 v8;
	v8 =	vmul.f32 v22, v13  }
0xf1: {  	v1 =	vmul.f32 v13, v1;
	v10 =	vadd.f32 v14, v10;
	v5 =	vmul.f32 v13, v7  }
0xf2: {  	v2 =	vadd.f32 v2, v9;
	(erf) = vpow2.f32 v20;
	v6 =	vadd.f32 v8, v6  }
0xf3: {  	v3 =	vmul.f32 v13, v3;
	v0 =	vadd.f32 v0, v4;
	v4 =	vadd.f32 v10, v5;
	v7 =	vpop (erf)  }
0xf4: {  	v1 =	vadd.f32 v2, v1;
	v2 =	vmul.f32 v6, v7  }
0xf5: {  	v0 =	vadd.f32 v0, v3;
	v3 =	vmul.f32 v7, v4;
	_ =	sdelay $0x1  }
0xf6: {  	v1 =	vmul.f32 v7, v1;
	v0 =	vmul.f32 v7, v0;
	[tilespmem:s31+$0x1A500] =	vst v3  }
0xf7: {  	[tilespmem:s31+$0x1A530] =	vst v2;
	v2 =	vpop (erf)  }
0xf8: {  	[tilespmem:s31+$0x1A510] =	vst v1;
	v3 =	vpop (erf)  }
0xf9: {  	[tilespmem:s31+$0x1A520] =	vst v0;
	v1 =	vadd.f32 v3, v2  }
0xfa: {  	v4 =	vld [tilespmem:s1+$0x530];
	v0 =	vpop (erf)  }
0xfb: {  	v5 =	vld [tilespmem:s1+$0x2530];
	v1 =	vadd.f32 v1, v0;
	_ =	sdelay $0x1  }
0xfc: {  	(erf) = vrcp.f32 v1  }
0xfd: {  	v1 =	vld [tilespmem:s1+$0x4530]  }
0xfe: {  	v6 =	vmul.f32 v2, v24  }
0xff: {  	v4 =	vmul.f32 v4, v2;
	v5 =	vmul.f32 v5, v3  }
0x100: {  	v7 =	vmul.f32 v2, v28;
	v8 =	vmul.f32 v3, v27  }
0x101: {  	v9 =	vmul.f32 v3, v21;
	v2 =	vmul.f32 v2, v17;
	v4 =	vadd.f32 v5, v4  }
0x102: {  	v3 =	vmul.f32 v3, v19;
	v1 =	vmul.f32 v1, v0  }
0x103: {  	v5 =	vadd.f32 v8, v6;
	v6 =	vmul.f32 v0, v12;
	v8 =	vmul.f32 v0, v15  }
0x104: {  	v2 =	vadd.f32 v3, v2;
	v0 =	vmul.f32 v0, v18;
	v1 =	vadd.f32 v1, v4  }
0x105: {  	v7 =	vadd.f32 v9, v7;
	v3 =	vadd.f32 v5, v6;
	v4 =	vpop (erf)  }
0x106: {  	v0 =	vadd.f32 v2, v0;
	v1 =	vmul.f32 v1, v4  }
0x107: {  	v5 =	vadd.f32 v7, v8;
	v2 =	vmul.f32 v4, v3  }
0x108: {  	v0 =	vmul.f32 v4, v0;
	[tilespmem:s1+$0x1A530] =	vst v1  }
0x109: {  	v1 =	vmul.f32 v4, v5;
	[tilespmem:s1+$0x1A500] =	vst v2  }
0x10a: {  	[tilespmem:s1+$0x1A520] =	vst v0  }
0x10b: {  	s21 =	simm.s32 $0x0;
	[tilespmem:s1+$0x1A510] =	vst v1  }
0x10c: {  	[hbm4b:s7+s21] =	stream.linear.scatter [tilespmem:s26], [sflag:$0x5], $0x2000, $0x38;
	[tilespmem:$0x1C500] =	vst v63  }
0x10d: {  	_ =	swait.ge [sflag:s15], $0x2000  }
0x10e: {  	[sflag:s15] =	ssyncset.done $0x0  }
0x10f: {  	[sflag:s15] =	ssyncadd.s32 $0xFFFFE000  }
0x110: {  	v0 =	vld [tilespmem:$0x100]  }
0x111: {  	v1 =	vld [tilespmem:$0x110];
	_ =	sdelay $0x1  }
0x112: {  	v2 =	vld [tilespmem:$0x120];
	_ =	sdelay $0x1  }
0x113: {  	v0 =	vmul.u32 $0x3, v0  }
0x114: {  	v1 =	vmul.u32 $0x3, v1  }
0x115: {  	[tilespmem:$0x200] =	vst v0  }
0x116: {  	v2 =	vmul.u32 $0x3, v2;
	v3 =	vadd.s32 $0x1, v0;
	v0 =	vadd.s32 $0x2, v0;
	[tilespmem:$0x210] =	vst v1  }
0x117: {  	[tilespmem:$0x300] =	vst v0;
	v0 =	vld [tilespmem:$0x130]  }
0x118: {  	[tilespmem:$0x220] =	vst v2  }
0x119: {  	[tilespmem:$0x280] =	vst v3;
	v3 =	vadd.s32 $0x1, v1;
	v1 =	vadd.s32 $0x2, v1  }
0x11a: {  	[tilespmem:$0x310] =	vst v1;
	v1 =	vld [tilespmem:$0x140]  }
0x11b: {  	[tilespmem:$0x290] =	vst v3;
	v3 =	vadd.s32 $0x1, v2  }
0x11c: {  	v2 =	vadd.s32 $0x2, v2;
	[tilespmem:$0x2A0] =	vst v3;
	v0 =	vmul.u32 $0x3, v0  }
0x11d: {  	[tilespmem:$0x320] =	vst v2;
	v2 =	vld [tilespmem:$0x150]  }
0x11e: {  	[tilespmem:$0x230] =	vst v0;
	v3 =	vadd.s32 $0x1, v0  }
0x11f: {  	v1 =	vmul.u32 $0x3, v1;
	v0 =	vadd.s32 $0x2, v0;
	[tilespmem:$0x2B0] =	vst v3  }
0x120: {  	[tilespmem:$0x330] =	vst v0;
	v0 =	vld [tilespmem:$0x160]  }
0x121: {  	[tilespmem:$0x240] =	vst v1;
	v3 =	vadd.s32 $0x1, v1  }
0x122: {  	v2 =	vmul.u32 $0x3, v2;
	v1 =	vadd.s32 $0x2, v1;
	[tilespmem:$0x2C0] =	vst v3  }
0x123: {  	[tilespmem:$0x340] =	vst v1;
	v1 =	vld [tilespmem:$0x170]  }
0x124: {  	[tilespmem:$0x250] =	vst v2;
	v3 =	vadd.s32 $0x1, v2  }
0x125: {  	v2 =	vadd.s32 $0x2, v2;
	[tilespmem:$0x2D0] =	vst v3;
	v0 =	vmul.u32 $0x3, v0  }
0x126: {  	[tilespmem:$0x350] =	vst v2  }
0x127: {  	[tilespmem:$0x260] =	vst v0;
	v2 =	vadd.s32 $0x1, v0  }
0x128: {  	v1 =	vmul.u32 $0x3, v1;
	v0 =	vadd.s32 $0x2, v0;
	[tilespmem:$0x2E0] =	vst v2  }
0x129: {  	[tilespmem:$0x360] =	vst v0  }
0x12a: {  	[tilespmem:$0x270] =	vst v1;
	v0 =	vadd.s32 $0x1, v1  }
0x12b: {  	[tilespmem:$0x2F0] =	vst v0;
	v0 =	vadd.s32 $0x2, v1  }
0x12c: {  	s22 =	simm.s32 $0x500;
	[tilespmem:$0x370] =	vst v0  }
0x12d: {  	[tilespmem:s22], [sflag:$0x1] =	stream.indirect.gather [hbm4b:s3+s16], $0x40, s17, s16, $0xb8;
	[tilespmem:$0x1C500] =	vst v63  }
0x12e: {  	s5 =	simm.s32 $0xC500  }
0x12f: {  	[tilespmem:s5], [sflag:$0x3] =	stream.indirect.gather [hbm4b:s4+s16], $0x40, s17, s16, $0xb8;
	[tilespmem:$0x1C500] =	vst v63  }
0x130: {  	_ = 	snop  }
0x131: {  	[tilespmem:s23], [sflag:$0x5] =	stream.linear.gather [hbm4b:s8+s21], $0x2000, $0x38;
	[tilespmem:$0x1C500] =	vst v63  }
0x132: {  	_ =	swait.ge [sflag:s15], $0x2000  }
0x133: {  	[sflag:s15] =	ssyncset.done $0x0  }
0x134: {  	[sflag:s15] =	ssyncadd.s32 $0xFFFFE000  }
0x135: {  	_ =	swait.ge [sflag:s28], $0x6000  }
0x136: {  	[sflag:s28] =	ssyncset.done $0x0  }
0x137: {  	[sflag:s28] =	ssyncadd.s32 $0xFFFFA000  }
0x138: {  	_ =	swait.ge [sflag:s29], $0x6000  }
0x139: {  	[sflag:s29] =	ssyncset.done $0x0  }
0x13a: {  	s0 =	simm.s32 $0x0;
	[sflag:s29] =	ssyncadd.s32 $0xFFFFA000  }
0x13b: {  	v0 =	vld [tilespmem:s0+$0x12530]  }
0x13c: {  	v1 =	vld [tilespmem:s0+$0x12520]  }
0x13d: {  	v2 =	vld [tilespmem:s0+$0x12500]  }
0x13e: {  	v3 =	vld [tilespmem:s0+$0x12510]  }
0x13f: {  	v4 =	vld [tilespmem:s0+$0x18500]  }
0x140: {  	v5 =	vld [tilespmem:s0+$0x18510]  }
0x141: {  	v6 =	vld [tilespmem:s0+$0x18520]  }
0x142: {  	v7 =	vld [tilespmem:s0+$0x14500]  }
0x143: {  	v8 =	vld [tilespmem:s0+$0x14510]  }
0x144: {  	v9 =	vld [tilespmem:s0+$0x18530]  }
0x145: {  	v10 =	vld [tilespmem:s0+$0x16500]  }
0x146: {  	v11 =	vld [tilespmem:s0+$0x16510]  }
0x147: {  	v12 =	vld [tilespmem:s0+$0x14520]  }
0x148: {  	v13 =	vld [tilespmem:s0+$0x16520];
	v2 =	vmul.f32 v2, v4;
	v3 =	vmul.f32 v3, v5  }
0x149: {  	v14 =	vld [tilespmem:s0+$0x14530];
	v1 =	vmul.f32 v1, v6  }
0x14a: {  	v15 =	vld [tilespmem:s0+$0x16530];
	v2 =	vadd.f32 v3, v2;
	v3 =	vmul.f32 v7, v4;
	v7 =	vmul.f32 v8, v5  }
0x14b: {  	v4 =	vmul.f32 v10, v4;
	v5 =	vmul.f32 v11, v5  }
0x14c: {  	v1 =	vadd.f32 v1, v2;
	v2 =	vadd.f32 v7, v3;
	v3 =	vmul.f32 v12, v6  }
0x14d: {  	v0 =	vmul.f32 v0, v9;
	v4 =	vadd.f32 v5, v4;
	v5 =	vmul.f32 v13, v6  }
0x14e: {  	v2 =	vadd.f32 v3, v2;
	v3 =	vmul.f32 v14, v9  }
0x14f: {  	v0 =	vadd.f32 v0, v1;
	v1 =	vadd.f32 v5, v4;
	v4 =	vmul.f32 v15, v9  }
0x150: {  	v16 =	vld [tilespmem:s0+$0x6500];
	v2 =	vadd.f32 v3, v2  }
0x151: {  	s31 =	simm.s32 $0x40;
	v17 =	vld [tilespmem:s0+$0x6510];
	(xrf2) =	vadd.scan.msk.f32 $0xffff, v0;
	v0 =	vadd.f32 v4, v1  }
0x152: {  	v18 =	vld [tilespmem:s31+$0x18520];
	(xrf2) =	vadd.scan.msk.f32 $0xffff, v2  }
0x153: {  	v19 =	vld [tilespmem:s31+$0x14510];
	(xrf2) =	vadd.scan.msk.f32 $0xffff, v0  }
0x154: {  	v20 =	vld [tilespmem:s31+$0x18530]  }
0x155: {  	v21 =	vld [tilespmem:s31+$0x16500]  }
0x156: {  	v22 =	vld [tilespmem:s31+$0x16510]  }
0x157: {  	v23 =	vld [tilespmem:s31+$0x14530]  }
0x158: {  	v24 =	vld [tilespmem:s31+$0x16520]  }
0x159: {  	s1 =	simm.s32 $0x80;
	v25 =	vld [tilespmem:s31+$0x16530]  }
0x15a: {  	v27 =	vld [tilespmem:s1+$0x12520]  }
0x15b: {  	v26 =	vld [tilespmem:s1+$0x12510];
	v7, _, _ =	vpop (xrf2)  }
0x15c: {  	v9 =	vld [tilespmem:s31+$0x18510];
	v10, _, _ =	vpop (xrf2)  }
0x15d: {  	v3 =	vld [tilespmem:s31+$0x12510];
	(v2sf) =	vpush v10, $0xF;
	v10, _, _ =	vpop (xrf2)  }
0x15e: {  	v4 =	vld [tilespmem:s31+$0x18500];
	(v2sf) =	vpush v10, $0xF  }
0x15f: {  	v2 =	vld [tilespmem:s31+$0x12500];
	(v2sf) =	vpush v7, $0xF  }
0x160: {  	v14 =	vld [tilespmem:s31+$0x14500]  }
0x161: {  	v1 =	vld [tilespmem:s31+$0x12520]  }
0x162: {  	v0 =	vld [tilespmem:s31+$0x12530]  }
0x163: {  	v7 =	vld [tilespmem:s31+$0x14520]  }
0x164: {  	v8 =	vld [tilespmem:s0+$0x8500];
	v3 =	vmul.f32 v3, v9;
	v2 =	vmul.f32 v2, v4  }
0x165: {  	v11 =	vld [tilespmem:s0+$0xA500];
	v19 =	vmul.f32 v19, v9  }
0x166: {  	v12 =	vld [tilespmem:s0+$0x6520];
	v1 =	vmul.f32 v1, v18;
	v2 =	vadd.f32 v3, v2;
	v3 =	vmul.f32 v14, v4  }
0x167: {  	v6 =	vld [tilespmem:s0+$0x8520];
	v4 =	vmul.f32 v21, v4;
	v21 =	vmul.f32 v22, v9  }
0x168: {  	v13 =	vld [tilespmem:s0+$0xA510];
	v0 =	vmul.f32 v0, v20;
	v3 =	vadd.f32 v19, v3;
	v7 =	vmul.f32 v7, v18  }
0x169: {  	v15 =	vld [tilespmem:s0+$0x8510];
	v1 =	vadd.f32 v1, v2;
	v19 =	vadd.f32 v21, v4;
	v18 =	vmul.f32 v24, v18  }
0x16a: {  	v5 =	vld [tilespmem:s0+$0xA520];
	v3 =	vadd.f32 v7, v3;
	v7 =	vmul.f32 v23, v20  }
0x16b: {  	v14 =	vld [tilespmem:s31+$0x8500];
	v1 =	vadd.f32 v0, v1;
	v18 =	vadd.f32 v18, v19;
	v19 =	vmul.f32 v25, v20  }
0x16c: {  	v9 =	vld [tilespmem:s31+$0x6510];
	v3 =	vadd.f32 v7, v3;
	s6 =	spop (v2sf)  }
0x16d: {  	v22 =	vld [tilespmem:s1+$0x18510];
	(xrf2) =	vadd.scan.msk.f32 $0xffff, v1;
	v18 =	vadd.f32 v19, v18;
	s22 =	spop (v2sf)  }
0x16e: {  	v2 =	vld [tilespmem:s31+$0x8510];
	(xrf2) =	vadd.scan.msk.f32 $0xffff, v3;
	s19 =	smax.f32 s6, s22;
	s21 =	spop (v2sf)  }
0x16f: {  	v4 =	vld [tilespmem:s31+$0x6520];
	(xrf2) =	vadd.scan.msk.f32 $0xffff, v18;
	s18 =	smax.f32 s21, s19  }
0x170: {  	v0 =	vld [tilespmem:s31+$0x8520];
	s19 =	ssub.f32 s21, s18  }
0x171: {  	v10 =	vld [tilespmem:s31+$0x6500];
	s5 =	ssub.f32 s6, s18  }
0x172: {  	v63 =	vmul.f32 v26, v22;
	v26 =	vld [tilespmem:s1+$0x16500];
	v19 =	vmov s19  }
0x173: {  	v1 =	vld [tilespmem:s31+$0xA510];
	s22 =	ssub.f32 s22, s18;
	v21 =	vmov s5;
	v19 =	vmul.f32 $1.442695020e+00, v19  }
0x174: {  	v25 =	vld [tilespmem:s1+$0x12500];
	v21 =	vmul.f32 $1.442695020e+00, v21  }
0x175: {  	v20 =	vld [tilespmem:s1+$0x18500];
	v23 =	vmov s22;
	v24 =	vbroadcast v19, $0x0  }
0x176: {  	v7 =	vld [tilespmem:s31+$0xA500];
	v28 =	vmul.f32 $1.442695020e+00, v23;
	v21 =	vbroadcast v21, $0x0  }
0x177: {  	v29, _, _ =	vpop (xrf2);
	v18 =	vld [tilespmem:s1+$0x12530];
	(erf) = vpow2.f32 v24  }
0x178: {  	v23 =	vld [tilespmem:s1+$0x14500];
	v30, _, _ =	vpop (xrf2);
	v28 =	vbroadcast v28, $0x0;
	(erf) = vpow2.f32 v21  }
0x179: {  	v19 =	vld [tilespmem:s1+$0x18520];
	(v2sf) =	vpush v30, $0xF;
	v30, _, _ =	vpop (xrf2)  }
0x17a: {  	(v2sf) =	vpush v30, $0xF;
	v24 =	vld [tilespmem:s1+$0x14510];
	(erf) = vpow2.f32 v28  }
0x17b: {  	(v2sf) =	vpush v29, $0xF;
	v21 =	vld [tilespmem:s1+$0x18530]  }
0x17c: {  	v3 =	vld [tilespmem:s31+$0xA520];
	v31 =	vmul.f32 v25, v20  }
0x17d: {  	v25 =	vld [tilespmem:s1+$0x14520]  }
0x17e: {  	s18 =	simm.s32 $0x300;
	v28 =	vadd.f32 v63, v31;
	v29 =	vmul.f32 v27, v19;
	v27 =	vld [tilespmem:s1+$0x16510]  }
.LBB2_4:
0x17f: {  	p0 =	sne.s32 s18, $0x7F00;
	v23 =	vmul.f32 v23, v20;
	v24 =	vmul.f32 v24, v22;
	v30 =	vld [tilespmem:s1+$0x14530]  }
0x180: {  	v28 =	vadd.f32 v29, v28;
	v18 =	vmul.f32 v18, v21;
	v29 =	vld [tilespmem:s1+$0x16520];
	v31 =	vpop (erf)  }
0x181: {  	v23 =	vadd.f32 v24, v23;
	v24 =	vld [tilespmem:s1+$0x6500];
	v32 =	vmul.f32 v31, v16;
	v33 =	vmul.f32 v31, v17;
	v34 =	vpop (erf)  }
0x182: {  	v25 =	vmul.f32 v25, v19;
	v16 =	vmovc v10;
	v18 =	vadd.f32 v18, v28;
	v28 =	vld [tilespmem:s1+$0x16530];
	v35 =	vadd.f32 v34, v31  }
0x183: {  	v17 =	vmov v9;
	v36 =	vmul.f32 v26, v20;
	v20 =	vmul.f32 v27, v22;
	v22 =	vld [tilespmem:s1+$0x8500];
	v26 =	vpop (erf)  }
0x184: {  	v9 =	vadd.f32 v25, v23;
	v23 =	vmul.f32 v30, v21;
	(xrf2) =	vadd.scan.msk.f32 $0xffff, v18;
	v18 =	vadd.f32 v35, v26;
	v25 =	vld [tilespmem:s0+$0x6530]  }
0x185: {  	v27 =	vmul.f32 v34, v8;
	v8 =	vmovc v14;
	v20 =	vadd.f32 v20, v36;
	v19 =	vmul.f32 v29, v19;
	v29 =	vld [tilespmem:s0+$0x8530]  }
0x186: {  	v30 =	vadd.f32 v23, v9;
	v9 =	vld [tilespmem:s1+$0x6510];
	v23 =	vmul.f32 v34, v15;
	(erf) = vrcp.f32 v18;
	v10 =	vmovc v24;
	v15 =	vmovc v2  }
0x187: {  	v18 =	vadd.f32 v19, v20;
	v19 =	vmul.f32 v28, v21;
	v20 =	vmul.f32 v31, v12;
	v21 =	vld [tilespmem:s0+$0xA530];
	v12 =	vmovc v4  }
0x188: {  	v24 =	vadd.f32 v27, v32;
	v27 =	vmul.f32 v34, v6;
	v2 =	vld [tilespmem:s1+$0x8510];
	(xrf2) =	vadd.scan.msk.f32 $0xffff, v30;
	s5 =	spop (v2sf);
	v23 =	vadd.f32 v23, v33  }
0x189: {  	v28 =	vmul.f32 v26, v11;
	v30 =	vmul.f32 v26, v13;
	v14 =	vmovc v22;
	v18 =	vadd.f32 v19, v18;
	v4 =	vld [tilespmem:s1+$0x6520];
	s6 =	spop (v2sf)  }
0x18a: {  	v6 =	vmovc v0;
	v19 =	vadd.f32 v27, v20;
	v20 =	vmul.f32 v25, v31;
	s19 =	smax.f32 s5, s6;
	s21 =	spop (v2sf);
	v22 =	vmul.f32 v29, v34;
	v0 =	vld [tilespmem:s1+$0x8520]  }
0x18b: {  	v24 =	vadd.f32 v24, v28;
	v23 =	vadd.f32 v23, v30;
	v25 =	vld [tilespmem:s1+$0xA500];
	(xrf2) =	vadd.scan.msk.f32 $0xffff, v18;
	s19 =	smax.f32 s21, s19;
	v18 =	vmul.f32 v26, v5  }
0x18c: {  	v11 =	vmovc v7;
	v13 =	vmovc v1;
	v5 =	vmov v3;
	s21 =	ssub.f32 s21, s19;
	v20 =	vadd.f32 v22, v20;
	v22 =	vmul.f32 v21, v26;
	v1 =	vld [tilespmem:s1+$0xA510]  }
0x18d: {  	s22 =	sshra.s32 s18, $0x2;
	s5 =	ssub.f32 s5, s19;
	v3 =	vld [tilespmem:s1+$0xA520];
	v26 =	vadd.f32 v19, v18  }
0x18e: {  	v18 =	vld [tilespmem:s22+$0x12530];
	v27, _, _ =	vpop (xrf2);
	v31 =	vmov s21;
	v19 =	vadd.f32 v22, v20  }
0x18f: {  	v30 =	vmov s5;
	s5 =	ssub.f32 s6, s19;
	v29 =	vld [tilespmem:s22+$0x12520];
	v20 =	vmul.f32 $1.442695020e+00, v31;
	v21 =	vpop (erf)  }
0x190: {  	v22 =	vmul.f32 $1.442695020e+00, v30;
	v28 =	vld [tilespmem:s22+$0x12500];
	v19 =	vmul.f32 v19, v21;
	v7 =	vmov v25  }
0x191: {  	v31 =	vmov s5;
	v24 =	vmul.f32 v21, v24;
	v25 =	vld [tilespmem:s22+$0x12510];
	v30 =	vbroadcast v20, $0x0  }
0x192: {  	v33 =	vbroadcast v22, $0x0;
	v34 =	vmul.f32 $1.442695020e+00, v31;
	v20 =	vld [tilespmem:s22+$0x18500];
	v32, _, _ =	vpop (xrf2);
	[tilespmem:s0+$0x1A530] =	vst v19  }
0x193: {  	v22 =	vld [tilespmem:s22+$0x18510];
	(erf) = vpow2.f32 v30;
	[tilespmem:s0+$0x1A500] =	vst v24;
	v24 =	vmul.f32 v21, v23  }
0x194: {  	v30 =	vbroadcast v34, $0x0;
	v19 =	vld [tilespmem:s22+$0x18520];
	(erf) = vpow2.f32 v33  }
0x195: {  	v26 =	vmul.f32 v21, v26;
	v23 =	vld [tilespmem:s22+$0x14500];
	(v2sf) =	vpush v32, $0xF;
	v31, _, _ =	vpop (xrf2);
	[tilespmem:s0+$0x1A510] =	vst v24  }
.Ltmp1:
0x196: {  	v24 =	vld [tilespmem:s22+$0x14510];
	(v2sf) =	vpush v31, $0xF;
	(erf) = vpow2.f32 v30;
	(pc) =	sbr.rel @p0 .LBB2_4-.Ltmp1, $4  }
0x197: {  	v21 =	vld [tilespmem:s22+$0x18530];
	(v2sf) =	vpush v27, $0xF;
	[tilespmem:s0+$0x1A520] =	vst v26;
	s0 =	smov.u32 s31;
	s31 =	smov.u32 s1;
	s1 =	smov.u32 s22  }
0x198: {  	v27 =	vmul.f32 v28, v20;
	v28 =	vmul.f32 v25, v22;
	v25 =	vld [tilespmem:s1+$0x14520]  }
0x199: {  	v26 =	vld [tilespmem:s1+$0x16500]  }
0x19a: {  	s18 =	sadd.s32 $0x100, s18;
	v29 =	vmul.f32 v29, v19;
	v28 =	vadd.f32 v28, v27;
	v27 =	vld [tilespmem:s1+$0x16510]  }
0x19b: {  	_ = 	snop  }
0x19c: {  	v30 =	vld [tilespmem:s1+$0x16520]  }
0x19d: {  	v31 =	vld [tilespmem:s1+$0x14530]  }
0x19e: {  	v23 =	vmul.f32 v23, v20;
	v24 =	vmul.f32 v24, v22;
	v32 =	vld [tilespmem:s1+$0x16530]  }
0x19f: {  	v20 =	vmul.f32 v26, v20;
	v22 =	vmul.f32 v27, v22  }
0x1a0: {  	v18 =	vmul.f32 v18, v21;
	v23 =	vadd.f32 v24, v23;
	v24 =	vmul.f32 v25, v19  }
0x1a1: {  	v26 =	vadd.f32 v29, v28;
	v19 =	vmul.f32 v30, v19;
	v20 =	vadd.f32 v22, v20  }
0x1a2: {  	v22 =	vadd.f32 v24, v23;
	v23 =	vmul.f32 v31, v21  }
0x1a3: {  	v18 =	vadd.f32 v18, v26;
	v19 =	vadd.f32 v19, v20;
	v20 =	vmul.f32 v32, v21  }
0x1a4: {  	v21 =	vadd.f32 v23, v22  }
0x1a5: {  	(xrf2) =	vadd.scan.msk.f32 $0xffff, v18;
	v18 =	vadd.f32 v20, v19  }
0x1a6: {  	(xrf2) =	vadd.scan.msk.f32 $0xffff, v21  }
0x1a7: {  	(xrf2) =	vadd.scan.msk.f32 $0xffff, v18;
	_ =	sdelay $0x4  }
0x1a8: {  	v18 =	vpop (erf)  }
0x1a9: {  	s5 =	spop (v2sf);
	v19 =	vpop (erf)  }
0x1aa: {  	s6 =	spop (v2sf);
	v20 =	vpop (erf)  }
0x1ab: {  	v24 =	vld [tilespmem:s0+$0x6530];
	s18 =	smax.f32 s5, s6;
	s19 =	spop (v2sf);
	v22 =	vadd.f32 v19, v18;
	v21, _, _ =	vpop (xrf2)  }
0x1ac: {  	v25 =	vld [tilespmem:s0+$0x8530];
	s18 =	smax.f32 s19, s18;
	v16 =	vmul.f32 v18, v16;
	v17 =	vmul.f32 v18, v17;
	v23, _, _ =	vpop (xrf2)  }
0x1ad: {  	s19 =	ssub.f32 s19, s18;
	v12 =	vmul.f32 v18, v12;
	v22 =	vadd.f32 v22, v20;
	(v2sf) =	vpush v23, $0xF;
	v23, _, _ =	vpop (xrf2)  }
0x1ae: {  	s5 =	ssub.f32 s5, s18;
	v8 =	vmul.f32 v19, v8;
	v15 =	vmul.f32 v19, v15;
	(v2sf) =	vpush v23, $0xF  }
0x1af: {  	s18 =	ssub.f32 s6, s18;
	(erf) = vrcp.f32 v22;
	v22 =	vmov s19;
	(v2sf) =	vpush v21, $0xF  }
0x1b0: {  	v18 =	vmul.f32 v24, v18;
	v22 =	vmul.f32 $1.442695020e+00, v22;
	v23 =	vmov s5  }
0x1b1: {  	v26 =	vmov s18;
	v25 =	vmul.f32 v25, v19;
	v23 =	vmul.f32 $1.442695020e+00, v23  }
0x1b2: {  	v26 =	vmul.f32 $1.442695020e+00, v26;
	v22 =	vbroadcast v22, $0x0  }
0x1b3: {  	v28 =	vld [tilespmem:s1+$0x6510];
	v6 =	vmul.f32 v19, v6;
	v23 =	vbroadcast v23, $0x0  }
0x1b4: {  	v11 =	vmul.f32 v20, v11;
	v21 =	vld [tilespmem:s0+$0xA530];
	(erf) = vpow2.f32 v22  }
0x1b5: {  	v27 =	vld [tilespmem:s1+$0x8500];
	v8 =	vadd.f32 v8, v16;
	v22 =	vbroadcast v26, $0x0;
	(erf) = vpow2.f32 v23  }
0x1b6: {  	v24 =	vld [tilespmem:s1+$0x6500];
	v13 =	vmul.f32 v20, v13;
	v5 =	vmul.f32 v20, v5;
	v6 =	vadd.f32 v6, v12  }
0x1b7: {  	v19 =	vld [tilespmem:s1+$0x8520];
	v15 =	vadd.f32 v15, v17;
	v8 =	vadd.f32 v8, v11;
	(erf) = vpow2.f32 v22  }
0x1b8: {  	v18 =	vadd.f32 v25, v18;
	v17 =	vld [tilespmem:s1+$0x6520];
	v5 =	vadd.f32 v6, v5;
	v11 =	vpop (erf)  }
0x1b9: {  	v12 =	vld [tilespmem:s1+$0xA500];
	v13 =	vadd.f32 v15, v13;
	v16 =	vmul.f32 v21, v20;
	v6 =	vmul.f32 v11, v8  }
0x1ba: {  	v15 =	vld [tilespmem:s1+$0xA510];
	v5 =	vmul.f32 v11, v5  }
0x1bb: {  	v21 =	vld [tilespmem:s1+$0x8510];
	v8 =	vmul.f32 v11, v13;
	v16 =	vadd.f32 v16, v18  }
0x1bc: {  	v18 =	vld [tilespmem:s1+$0xA520];
	[tilespmem:s0+$0x1A500] =	vst v6;
	s5 =	spop (v2sf)  }
0x1bd: {  	[tilespmem:s0+$0x1A510] =	vst v8;
	v16 =	vmul.f32 v16, v11;
	v6 =	vpop (erf);
	s6 =	spop (v2sf)  }
0x1be: {  	[tilespmem:s0+$0x1A520] =	vst v5;
	v5 =	vpop (erf);
	s19 =	smax.f32 s5, s6;
	s21 =	spop (v2sf)  }
0x1bf: {  	[tilespmem:s0+$0x1A530] =	vst v16;
	v8 =	vadd.f32 v5, v6;
	s22 =	smax.f32 s21, s19  }
0x1c0: {  	v10 =	vmul.f32 v6, v10;
	v11 =	vld [tilespmem:s31+$0x6530];
	v13 =	vpop (erf);
	s18 =	ssub.f32 s21, s22  }
0x1c1: {  	v9 =	vmul.f32 v6, v9;
	v4 =	vmul.f32 v6, v4;
	v8 =	vadd.f32 v8, v13;
	s5 =	ssub.f32 s5, s22  }
0x1c2: {  	v16 =	vld [tilespmem:s31+$0x8530];
	v14 =	vmul.f32 v5, v14;
	v2 =	vmul.f32 v5, v2  }
0x1c3: {  	s0 =	ssub.f32 s6, s22;
	(erf) = vrcp.f32 v8;
	v20 =	vmov s18;
	v22 =	vmov s5  }
0x1c4: {  	v20 =	vmul.f32 $1.442695020e+00, v20;
	v8 =	vmul.f32 $1.442695020e+00, v22;
	v22 =	vld [tilespmem:s31+$0xA530]  }
0x1c5: {  	v0 =	vmul.f32 v5, v0;
	v11 =	vmul.f32 v11, v6;
	v23 =	vmov s0  }
0x1c6: {  	v23 =	vmul.f32 $1.442695020e+00, v23;
	v20 =	vbroadcast v20, $0x0  }
0x1c7: {  	v16 =	vmul.f32 v16, v5;
	v8 =	vbroadcast v8, $0x0  }
0x1c8: {  	(erf) = vpow2.f32 v20;
	v20 =	vbroadcast v23, $0x0  }
0x1c9: {  	v6 =	vadd.f32 v16, v11;
	(erf) = vpow2.f32 v8;
	v8 =	vmul.f32 v22, v13  }
0x1ca: {  	v1 =	vmul.f32 v13, v1;
	v10 =	vadd.f32 v14, v10;
	v5 =	vmul.f32 v13, v7  }
0x1cb: {  	v2 =	vadd.f32 v2, v9;
	(erf) = vpow2.f32 v20;
	v6 =	vadd.f32 v8, v6  }
0x1cc: {  	v3 =	vmul.f32 v13, v3;
	v0 =	vadd.f32 v0, v4;
	v4 =	vadd.f32 v10, v5;
	v7 =	vpop (erf)  }
0x1cd: {  	v1 =	vadd.f32 v2, v1;
	v2 =	vmul.f32 v6, v7  }
0x1ce: {  	v0 =	vadd.f32 v0, v3;
	v3 =	vmul.f32 v7, v4;
	_ =	sdelay $0x1  }
0x1cf: {  	v1 =	vmul.f32 v7, v1;
	v0 =	vmul.f32 v7, v0;
	[tilespmem:s31+$0x1A500] =	vst v3  }
0x1d0: {  	[tilespmem:s31+$0x1A530] =	vst v2;
	v2 =	vpop (erf)  }
0x1d1: {  	[tilespmem:s31+$0x1A510] =	vst v1;
	v3 =	vpop (erf)  }
0x1d2: {  	[tilespmem:s31+$0x1A520] =	vst v0;
	v1 =	vadd.f32 v3, v2  }
0x1d3: {  	v4 =	vld [tilespmem:s1+$0x6530];
	v0 =	vpop (erf)  }
0x1d4: {  	v5 =	vld [tilespmem:s1+$0x8530];
	v1 =	vadd.f32 v1, v0;
	_ =	sdelay $0x1  }
0x1d5: {  	(erf) = vrcp.f32 v1  }
0x1d6: {  	v1 =	vld [tilespmem:s1+$0xA530]  }
0x1d7: {  	v6 =	vmul.f32 v2, v24  }
0x1d8: {  	v4 =	vmul.f32 v4, v2;
	v5 =	vmul.f32 v5, v3  }
0x1d9: {  	v7 =	vmul.f32 v2, v28;
	v8 =	vmul.f32 v3, v27  }
0x1da: {  	v9 =	vmul.f32 v3, v21;
	v2 =	vmul.f32 v2, v17;
	v4 =	vadd.f32 v5, v4  }
0x1db: {  	v3 =	vmul.f32 v3, v19;
	v1 =	vmul.f32 v1, v0  }
0x1dc: {  	v5 =	vadd.f32 v8, v6;
	v6 =	vmul.f32 v0, v12;
	v8 =	vmul.f32 v0, v15  }
0x1dd: {  	v2 =	vadd.f32 v3, v2;
	v0 =	vmul.f32 v0, v18;
	v1 =	vadd.f32 v1, v4  }
0x1de: {  	v7 =	vadd.f32 v9, v7;
	v3 =	vadd.f32 v5, v6;
	v4 =	vpop (erf)  }
0x1df: {  	v0 =	vadd.f32 v2, v0;
	v1 =	vmul.f32 v1, v4  }
0x1e0: {  	v5 =	vadd.f32 v7, v8;
	v2 =	vmul.f32 v4, v3  }
0x1e1: {  	v0 =	vmul.f32 v4, v0;
	[tilespmem:s1+$0x1A530] =	vst v1  }
0x1e2: {  	v1 =	vmul.f32 v4, v5;
	[tilespmem:s1+$0x1A500] =	vst v2  }
0x1e3: {  	[tilespmem:s1+$0x1A520] =	vst v0  }
0x1e4: {  	s21 =	simm.s32 $0x0;
	[tilespmem:s1+$0x1A510] =	vst v1  }
0x1e5: {  	[hbm4b:s9+s21] =	stream.linear.scatter [tilespmem:s26], [sflag:$0x5], $0x2000, $0x38;
	[tilespmem:$0x1C500] =	vst v63  }
0x1e6: {  	_ =	swait.ge [sflag:s15], $0x2000  }
0x1e7: {  	[sflag:s15] =	ssyncset.done $0x0  }
0x1e8: {  	[sflag:s15] =	ssyncadd.s32 $0xFFFFE000  }
0x1e9: {  	v0 =	vld [tilespmem:$0x180]  }
0x1ea: {  	v1 =	vld [tilespmem:$0x190];
	_ =	sdelay $0x1  }
0x1eb: {  	v2 =	vld [tilespmem:$0x1A0];
	_ =	sdelay $0x1  }
0x1ec: {  	v0 =	vmul.u32 $0x3, v0  }
0x1ed: {  	v1 =	vmul.u32 $0x3, v1  }
0x1ee: {  	[tilespmem:$0x380] =	vst v0  }
0x1ef: {  	v2 =	vmul.u32 $0x3, v2;
	v3 =	vadd.s32 $0x1, v0;
	v0 =	vadd.s32 $0x2, v0;
	[tilespmem:$0x390] =	vst v1  }
0x1f0: {  	[tilespmem:$0x480] =	vst v0;
	v0 =	vld [tilespmem:$0x1B0]  }
0x1f1: {  	[tilespmem:$0x3A0] =	vst v2  }
0x1f2: {  	[tilespmem:$0x400] =	vst v3;
	v3 =	vadd.s32 $0x1, v1;
	v1 =	vadd.s32 $0x2, v1  }
0x1f3: {  	[tilespmem:$0x490] =	vst v1;
	v1 =	vld [tilespmem:$0x1C0]  }
0x1f4: {  	[tilespmem:$0x410] =	vst v3;
	v3 =	vadd.s32 $0x1, v2  }
0x1f5: {  	v2 =	vadd.s32 $0x2, v2;
	[tilespmem:$0x420] =	vst v3;
	v0 =	vmul.u32 $0x3, v0  }
0x1f6: {  	[tilespmem:$0x4A0] =	vst v2;
	v2 =	vld [tilespmem:$0x1D0]  }
0x1f7: {  	[tilespmem:$0x3B0] =	vst v0;
	v3 =	vadd.s32 $0x1, v0  }
0x1f8: {  	v1 =	vmul.u32 $0x3, v1;
	v0 =	vadd.s32 $0x2, v0;
	[tilespmem:$0x430] =	vst v3  }
0x1f9: {  	[tilespmem:$0x4B0] =	vst v0;
	v0 =	vld [tilespmem:$0x1E0]  }
0x1fa: {  	[tilespmem:$0x3C0] =	vst v1;
	v3 =	vadd.s32 $0x1, v1  }
0x1fb: {  	v2 =	vmul.u32 $0x3, v2;
	v1 =	vadd.s32 $0x2, v1;
	[tilespmem:$0x440] =	vst v3  }
0x1fc: {  	[tilespmem:$0x4C0] =	vst v1;
	v1 =	vld [tilespmem:$0x1F0]  }
0x1fd: {  	[tilespmem:$0x3D0] =	vst v2;
	v3 =	vadd.s32 $0x1, v2  }
0x1fe: {  	v2 =	vadd.s32 $0x2, v2;
	[tilespmem:$0x450] =	vst v3;
	v0 =	vmul.u32 $0x3, v0  }
0x1ff: {  	[tilespmem:$0x4D0] =	vst v2  }
0x200: {  	[tilespmem:$0x3E0] =	vst v0;
	v2 =	vadd.s32 $0x1, v0  }
0x201: {  	v1 =	vmul.u32 $0x3, v1;
	v0 =	vadd.s32 $0x2, v0;
	[tilespmem:$0x460] =	vst v2  }
0x202: {  	[tilespmem:$0x4E0] =	vst v0  }
0x203: {  	[tilespmem:$0x3F0] =	vst v1;
	v0 =	vadd.s32 $0x1, v1  }
0x204: {  	[tilespmem:$0x470] =	vst v0;
	v0 =	vadd.s32 $0x2, v1  }
0x205: {  	s22 =	simm.s32 $0x6500;
	[tilespmem:$0x4F0] =	vst v0  }
0x206: {  	[tilespmem:s22], [sflag:$0x2] =	stream.indirect.gather [hbm4b:s3+s16], $0x40, s20, s16, $0xb8;
	[tilespmem:$0x1C500] =	vst v63  }
0x207: {  	s5 =	simm.s32 $0x12500  }
0x208: {  	[tilespmem:s5], [sflag:$0x4] =	stream.indirect.gather [hbm4b:s4+s16], $0x40, s20, s16, $0xb8;
	[tilespmem:$0x1C500] =	vst v63  }
0x209: {  	_ = 	snop  }
0x20a: {  	[tilespmem:s23], [sflag:$0x5] =	stream.linear.gather [hbm4b:s10+s21], $0x2000, $0x38;
	[tilespmem:$0x1C500] =	vst v63  }
0x20b: {  	_ =	swait.ge [sflag:s15], $0x2000  }
0x20c: {  	[sflag:s15] =	ssyncset.done $0x0  }
0x20d: {  	[sflag:s15] =	ssyncadd.s32 $0xFFFFE000  }
0x20e: {  	_ =	swait.ge [sflag:s24], $0x6000  }
0x20f: {  	[sflag:s24] =	ssyncset.done $0x0  }
0x210: {  	[sflag:s24] =	ssyncadd.s32 $0xFFFFA000  }
0x211: {  	_ =	swait.ge [sflag:s25], $0x6000  }
0x212: {  	[sflag:s25] =	ssyncset.done $0x0  }
0x213: {  	s0 =	simm.s32 $0x0;
	[sflag:s25] =	ssyncadd.s32 $0xFFFFA000  }
0x214: {  	v0 =	vld [tilespmem:s0+$0xC530]  }
0x215: {  	v1 =	vld [tilespmem:s0+$0xC520]  }
0x216: {  	v2 =	vld [tilespmem:s0+$0xC500]  }
0x217: {  	v3 =	vld [tilespmem:s0+$0xC510]  }
0x218: {  	v4 =	vld [tilespmem:s0+$0x18500]  }
0x219: {  	v5 =	vld [tilespmem:s0+$0x18510]  }
0x21a: {  	v6 =	vld [tilespmem:s0+$0x18520]  }
0x21b: {  	v7 =	vld [tilespmem:s0+$0xE500]  }
0x21c: {  	v8 =	vld [tilespmem:s0+$0xE510]  }
0x21d: {  	v9 =	vld [tilespmem:s0+$0x18530]  }
0x21e: {  	v10 =	vld [tilespmem:s0+$0x10500]  }
0x21f: {  	v11 =	vld [tilespmem:s0+$0x10510]  }
0x220: {  	v12 =	vld [tilespmem:s0+$0xE520]  }
0x221: {  	v13 =	vld [tilespmem:s0+$0x10520];
	v2 =	vmul.f32 v2, v4;
	v3 =	vmul.f32 v3, v5  }
0x222: {  	v14 =	vld [tilespmem:s0+$0xE530];
	v1 =	vmul.f32 v1, v6  }
0x223: {  	v15 =	vld [tilespmem:s0+$0x10530];
	v2 =	vadd.f32 v3, v2;
	v3 =	vmul.f32 v7, v4;
	v7 =	vmul.f32 v8, v5  }
0x224: {  	v4 =	vmul.f32 v10, v4;
	v5 =	vmul.f32 v11, v5  }
0x225: {  	v1 =	vadd.f32 v1, v2;
	v2 =	vadd.f32 v7, v3;
	v3 =	vmul.f32 v12, v6  }
0x226: {  	v0 =	vmul.f32 v0, v9;
	v4 =	vadd.f32 v5, v4;
	v5 =	vmul.f32 v13, v6  }
0x227: {  	v2 =	vadd.f32 v3, v2;
	v3 =	vmul.f32 v14, v9  }
0x228: {  	v0 =	vadd.f32 v0, v1;
	v1 =	vadd.f32 v5, v4;
	v4 =	vmul.f32 v15, v9  }
0x229: {  	v16 =	vld [tilespmem:s0+$0x500];
	v2 =	vadd.f32 v3, v2  }
0x22a: {  	s31 =	simm.s32 $0x40;
	v17 =	vld [tilespmem:s0+$0x510];
	(xrf2) =	vadd.scan.msk.f32 $0xffff, v0;
	v0 =	vadd.f32 v4, v1  }
0x22b: {  	v18 =	vld [tilespmem:s31+$0x18520];
	(xrf2) =	vadd.scan.msk.f32 $0xffff, v2  }
0x22c: {  	v19 =	vld [tilespmem:s31+$0xE510];
	(xrf2) =	vadd.scan.msk.f32 $0xffff, v0  }
0x22d: {  	v20 =	vld [tilespmem:s31+$0x18530]  }
0x22e: {  	v21 =	vld [tilespmem:s31+$0x10500]  }
0x22f: {  	v22 =	vld [tilespmem:s31+$0x10510]  }
0x230: {  	v23 =	vld [tilespmem:s31+$0xE530]  }
0x231: {  	v24 =	vld [tilespmem:s31+$0x10520]  }
0x232: {  	s1 =	simm.s32 $0x80;
	v25 =	vld [tilespmem:s31+$0x10530]  }
0x233: {  	v27 =	vld [tilespmem:s1+$0xC520]  }
0x234: {  	v26 =	vld [tilespmem:s1+$0xC510];
	v7, _, _ =	vpop (xrf2)  }
0x235: {  	v9 =	vld [tilespmem:s31+$0x18510];
	v10, _, _ =	vpop (xrf2)  }
0x236: {  	v3 =	vld [tilespmem:s31+$0xC510];
	(v2sf) =	vpush v10, $0xF;
	v10, _, _ =	vpop (xrf2)  }
0x237: {  	v4 =	vld [tilespmem:s31+$0x18500];
	(v2sf) =	vpush v10, $0xF  }
0x238: {  	v2 =	vld [tilespmem:s31+$0xC500];
	(v2sf) =	vpush v7, $0xF  }
0x239: {  	v14 =	vld [tilespmem:s31+$0xE500]  }
0x23a: {  	v1 =	vld [tilespmem:s31+$0xC520]  }
0x23b: {  	v0 =	vld [tilespmem:s31+$0xC530]  }
0x23c: {  	v7 =	vld [tilespmem:s31+$0xE520]  }
0x23d: {  	v8 =	vld [tilespmem:s0+$0x2500];
	v3 =	vmul.f32 v3, v9;
	v2 =	vmul.f32 v2, v4  }
0x23e: {  	v11 =	vld [tilespmem:s0+$0x4500];
	v19 =	vmul.f32 v19, v9  }
0x23f: {  	v12 =	vld [tilespmem:s0+$0x520];
	v1 =	vmul.f32 v1, v18;
	v2 =	vadd.f32 v3, v2;
	v3 =	vmul.f32 v14, v4  }
0x240: {  	v6 =	vld [tilespmem:s0+$0x2520];
	v4 =	vmul.f32 v21, v4;
	v21 =	vmul.f32 v22, v9  }
0x241: {  	v13 =	vld [tilespmem:s0+$0x4510];
	v0 =	vmul.f32 v0, v20;
	v3 =	vadd.f32 v19, v3;
	v7 =	vmul.f32 v7, v18  }
0x242: {  	v15 =	vld [tilespmem:s0+$0x2510];
	v1 =	vadd.f32 v1, v2;
	v19 =	vadd.f32 v21, v4;
	v18 =	vmul.f32 v24, v18  }
0x243: {  	v5 =	vld [tilespmem:s0+$0x4520];
	v3 =	vadd.f32 v7, v3;
	v7 =	vmul.f32 v23, v20  }
0x244: {  	v14 =	vld [tilespmem:s31+$0x2500];
	v1 =	vadd.f32 v0, v1;
	v18 =	vadd.f32 v18, v19;
	v19 =	vmul.f32 v25, v20  }
0x245: {  	v9 =	vld [tilespmem:s31+$0x510];
	v3 =	vadd.f32 v7, v3;
	s6 =	spop (v2sf)  }
0x246: {  	v22 =	vld [tilespmem:s1+$0x18510];
	(xrf2) =	vadd.scan.msk.f32 $0xffff, v1;
	v18 =	vadd.f32 v19, v18;
	s22 =	spop (v2sf)  }
0x247: {  	v2 =	vld [tilespmem:s31+$0x2510];
	(xrf2) =	vadd.scan.msk.f32 $0xffff, v3;
	s19 =	smax.f32 s6, s22;
	s21 =	spop (v2sf)  }
0x248: {  	v4 =	vld [tilespmem:s31+$0x520];
	(xrf2) =	vadd.scan.msk.f32 $0xffff, v18;
	s18 =	smax.f32 s21, s19  }
0x249: {  	v0 =	vld [tilespmem:s31+$0x2520];
	s19 =	ssub.f32 s21, s18  }
0x24a: {  	v10 =	vld [tilespmem:s31+$0x500];
	s5 =	ssub.f32 s6, s18  }
0x24b: {  	v63 =	vmul.f32 v26, v22;
	v26 =	vld [tilespmem:s1+$0x10500];
	v19 =	vmov s19  }
0x24c: {  	v1 =	vld [tilespmem:s31+$0x4510];
	s22 =	ssub.f32 s22, s18;
	v21 =	vmov s5;
	v19 =	vmul.f32 $1.442695020e+00, v19  }
0x24d: {  	v25 =	vld [tilespmem:s1+$0xC500];
	v21 =	vmul.f32 $1.442695020e+00, v21  }
0x24e: {  	v20 =	vld [tilespmem:s1+$0x18500];
	v23 =	vmov s22;
	v24 =	vbroadcast v19, $0x0  }
0x24f: {  	v7 =	vld [tilespmem:s31+$0x4500];
	v28 =	vmul.f32 $1.442695020e+00, v23;
	v21 =	vbroadcast v21, $0x0  }
0x250: {  	v29, _, _ =	vpop (xrf2);
	v18 =	vld [tilespmem:s1+$0xC530];
	(erf) = vpow2.f32 v24  }
0x251: {  	v23 =	vld [tilespmem:s1+$0xE500];
	v30, _, _ =	vpop (xrf2);
	v28 =	vbroadcast v28, $0x0;
	(erf) = vpow2.f32 v21  }
0x252: {  	v19 =	vld [tilespmem:s1+$0x18520];
	(v2sf) =	vpush v30, $0xF;
	v30, _, _ =	vpop (xrf2)  }
0x253: {  	(v2sf) =	vpush v30, $0xF;
	v24 =	vld [tilespmem:s1+$0xE510];
	(erf) = vpow2.f32 v28  }
0x254: {  	(v2sf) =	vpush v29, $0xF;
	v21 =	vld [tilespmem:s1+$0x18530]  }
0x255: {  	v3 =	vld [tilespmem:s31+$0x4520];
	v31 =	vmul.f32 v25, v20  }
0x256: {  	v25 =	vld [tilespmem:s1+$0xE520]  }
0x257: {  	s18 =	simm.s32 $0x300;
	v28 =	vadd.f32 v63, v31;
	v29 =	vmul.f32 v27, v19;
	v27 =	vld [tilespmem:s1+$0x10510]  }
.LBB2_6:
0x258: {  	p0 =	sne.s32 s18, $0x7F00;
	v23 =	vmul.f32 v23, v20;
	v24 =	vmul.f32 v24, v22;
	v30 =	vld [tilespmem:s1+$0xE530]  }
0x259: {  	v28 =	vadd.f32 v29, v28;
	v18 =	vmul.f32 v18, v21;
	v29 =	vld [tilespmem:s1+$0x10520];
	v31 =	vpop (erf)  }
0x25a: {  	v23 =	vadd.f32 v24, v23;
	v24 =	vld [tilespmem:s1+$0x500];
	v32 =	vmul.f32 v31, v16;
	v33 =	vmul.f32 v31, v17;
	v34 =	vpop (erf)  }
0x25b: {  	v25 =	vmul.f32 v25, v19;
	v16 =	vmovc v10;
	v18 =	vadd.f32 v18, v28;
	v28 =	vld [tilespmem:s1+$0x10530];
	v35 =	vadd.f32 v34, v31  }
0x25c: {  	v17 =	vmov v9;
	v36 =	vmul.f32 v26, v20;
	v20 =	vmul.f32 v27, v22;
	v22 =	vld [tilespmem:s1+$0x2500];
	v26 =	vpop (erf)  }
0x25d: {  	v9 =	vadd.f32 v25, v23;
	v23 =	vmul.f32 v30, v21;
	(xrf2) =	vadd.scan.msk.f32 $0xffff, v18;
	v18 =	vadd.f32 v35, v26;
	v25 =	vld [tilespmem:s0+$0x530]  }
0x25e: {  	v27 =	vmul.f32 v34, v8;
	v8 =	vmovc v14;
	v20 =	vadd.f32 v20, v36;
	v19 =	vmul.f32 v29, v19;
	v29 =	vld [tilespmem:s0+$0x2530]  }
0x25f: {  	v30 =	vadd.f32 v23, v9;
	v9 =	vld [tilespmem:s1+$0x510];
	v23 =	vmul.f32 v34, v15;
	(erf) = vrcp.f32 v18;
	v10 =	vmovc v24;
	v15 =	vmovc v2  }
0x260: {  	v18 =	vadd.f32 v19, v20;
	v19 =	vmul.f32 v28, v21;
	v20 =	vmul.f32 v31, v12;
	v21 =	vld [tilespmem:s0+$0x4530];
	v12 =	vmovc v4  }
0x261: {  	v24 =	vadd.f32 v27, v32;
	v27 =	vmul.f32 v34, v6;
	v2 =	vld [tilespmem:s1+$0x2510];
	(xrf2) =	vadd.scan.msk.f32 $0xffff, v30;
	s5 =	spop (v2sf);
	v23 =	vadd.f32 v23, v33  }
0x262: {  	v28 =	vmul.f32 v26, v11;
	v30 =	vmul.f32 v26, v13;
	v14 =	vmovc v22;
	v18 =	vadd.f32 v19, v18;
	v4 =	vld [tilespmem:s1+$0x520];
	s6 =	spop (v2sf)  }
0x263: {  	v6 =	vmovc v0;
	v19 =	vadd.f32 v27, v20;
	v20 =	vmul.f32 v25, v31;
	s19 =	smax.f32 s5, s6;
	s21 =	spop (v2sf);
	v22 =	vmul.f32 v29, v34;
	v0 =	vld [tilespmem:s1+$0x2520]  }
0x264: {  	v24 =	vadd.f32 v24, v28;
	v23 =	vadd.f32 v23, v30;
	v25 =	vld [tilespmem:s1+$0x4500];
	(xrf2) =	vadd.scan.msk.f32 $0xffff, v18;
	s19 =	smax.f32 s21, s19;
	v18 =	vmul.f32 v26, v5  }
0x265: {  	v11 =	vmovc v7;
	v13 =	vmovc v1;
	v5 =	vmov v3;
	s21 =	ssub.f32 s21, s19;
	v20 =	vadd.f32 v22, v20;
	v22 =	vmul.f32 v21, v26;
	v1 =	vld [tilespmem:s1+$0x4510]  }
0x266: {  	s22 =	sshra.s32 s18, $0x2;
	s5 =	ssub.f32 s5, s19;
	v3 =	vld [tilespmem:s1+$0x4520];
	v26 =	vadd.f32 v19, v18  }
0x267: {  	v18 =	vld [tilespmem:s22+$0xC530];
	v27, _, _ =	vpop (xrf2);
	v31 =	vmov s21;
	v19 =	vadd.f32 v22, v20  }
0x268: {  	v30 =	vmov s5;
	s5 =	ssub.f32 s6, s19;
	v29 =	vld [tilespmem:s22+$0xC520];
	v20 =	vmul.f32 $1.442695020e+00, v31;
	v21 =	vpop (erf)  }
0x269: {  	v22 =	vmul.f32 $1.442695020e+00, v30;
	v28 =	vld [tilespmem:s22+$0xC500];
	v19 =	vmul.f32 v19, v21;
	v7 =	vmov v25  }
0x26a: {  	v31 =	vmov s5;
	v24 =	vmul.f32 v21, v24;
	v25 =	vld [tilespmem:s22+$0xC510];
	v30 =	vbroadcast v20, $0x0  }
0x26b: {  	v33 =	vbroadcast v22, $0x0;
	v34 =	vmul.f32 $1.442695020e+00, v31;
	v20 =	vld [tilespmem:s22+$0x18500];
	v32, _, _ =	vpop (xrf2);
	[tilespmem:s0+$0x1A530] =	vst v19  }
0x26c: {  	v22 =	vld [tilespmem:s22+$0x18510];
	(erf) = vpow2.f32 v30;
	[tilespmem:s0+$0x1A500] =	vst v24;
	v24 =	vmul.f32 v21, v23  }
0x26d: {  	v30 =	vbroadcast v34, $0x0;
	v19 =	vld [tilespmem:s22+$0x18520];
	(erf) = vpow2.f32 v33  }
0x26e: {  	v26 =	vmul.f32 v21, v26;
	v23 =	vld [tilespmem:s22+$0xE500];
	(v2sf) =	vpush v32, $0xF;
	v31, _, _ =	vpop (xrf2);
	[tilespmem:s0+$0x1A510] =	vst v24  }
.Ltmp2:
0x26f: {  	v24 =	vld [tilespmem:s22+$0xE510];
	(v2sf) =	vpush v31, $0xF;
	(erf) = vpow2.f32 v30;
	(pc) =	sbr.rel @p0 .LBB2_6-.Ltmp2, $4  }
0x270: {  	v21 =	vld [tilespmem:s22+$0x18530];
	(v2sf) =	vpush v27, $0xF;
	[tilespmem:s0+$0x1A520] =	vst v26;
	s0 =	smov.u32 s31;
	s31 =	smov.u32 s1;
	s1 =	smov.u32 s22  }
0x271: {  	v27 =	vmul.f32 v28, v20;
	v28 =	vmul.f32 v25, v22;
	v25 =	vld [tilespmem:s1+$0xE520]  }
0x272: {  	v26 =	vld [tilespmem:s1+$0x10500]  }
0x273: {  	s18 =	sadd.s32 $0x100, s18;
	v29 =	vmul.f32 v29, v19;
	v28 =	vadd.f32 v28, v27;
	v27 =	vld [tilespmem:s1+$0x10510]  }
0x274: {  	_ = 	snop  }
0x275: {  	v30 =	vld [tilespmem:s1+$0x10520]  }
0x276: {  	v31 =	vld [tilespmem:s1+$0xE530]  }
0x277: {  	v23 =	vmul.f32 v23, v20;
	v24 =	vmul.f32 v24, v22;
	v32 =	vld [tilespmem:s1+$0x10530]  }
0x278: {  	v20 =	vmul.f32 v26, v20;
	v22 =	vmul.f32 v27, v22  }
0x279: {  	v18 =	vmul.f32 v18, v21;
	v23 =	vadd.f32 v24, v23;
	v24 =	vmul.f32 v25, v19  }
0x27a: {  	v26 =	vadd.f32 v29, v28;
	v19 =	vmul.f32 v30, v19;
	v20 =	vadd.f32 v22, v20  }
0x27b: {  	v22 =	vadd.f32 v24, v23;
	v23 =	vmul.f32 v31, v21  }
0x27c: {  	v18 =	vadd.f32 v18, v26;
	v19 =	vadd.f32 v19, v20;
	v20 =	vmul.f32 v32, v21  }
0x27d: {  	v21 =	vadd.f32 v23, v22  }
0x27e: {  	(xrf2) =	vadd.scan.msk.f32 $0xffff, v18;
	v18 =	vadd.f32 v20, v19  }
0x27f: {  	(xrf2) =	vadd.scan.msk.f32 $0xffff, v21  }
0x280: {  	(xrf2) =	vadd.scan.msk.f32 $0xffff, v18;
	_ =	sdelay $0x4  }
0x281: {  	v18 =	vpop (erf)  }
0x282: {  	s5 =	spop (v2sf);
	v19 =	vpop (erf)  }
0x283: {  	s6 =	spop (v2sf);
	v20 =	vpop (erf)  }
0x284: {  	v24 =	vld [tilespmem:s0+$0x530];
	s18 =	smax.f32 s5, s6;
	s19 =	spop (v2sf);
	v22 =	vadd.f32 v19, v18;
	v21, _, _ =	vpop (xrf2)  }
0x285: {  	v25 =	vld [tilespmem:s0+$0x2530];
	s18 =	smax.f32 s19, s18;
	v16 =	vmul.f32 v18, v16;
	v17 =	vmul.f32 v18, v17;
	v23, _, _ =	vpop (xrf2)  }
0x286: {  	s19 =	ssub.f32 s19, s18;
	v12 =	vmul.f32 v18, v12;
	v22 =	vadd.f32 v22, v20;
	(v2sf) =	vpush v23, $0xF;
	v23, _, _ =	vpop (xrf2)  }
0x287: {  	s5 =	ssub.f32 s5, s18;
	v8 =	vmul.f32 v19, v8;
	v15 =	vmul.f32 v19, v15;
	(v2sf) =	vpush v23, $0xF  }
0x288: {  	s18 =	ssub.f32 s6, s18;
	(erf) = vrcp.f32 v22;
	v22 =	vmov s19;
	(v2sf) =	vpush v21, $0xF  }
0x289: {  	v18 =	vmul.f32 v24, v18;
	v22 =	vmul.f32 $1.442695020e+00, v22;
	v23 =	vmov s5  }
0x28a: {  	v26 =	vmov s18;
	v25 =	vmul.f32 v25, v19;
	v23 =	vmul.f32 $1.442695020e+00, v23  }
0x28b: {  	v26 =	vmul.f32 $1.442695020e+00, v26;
	v22 =	vbroadcast v22, $0x0  }
0x28c: {  	v28 =	vld [tilespmem:s1+$0x510];
	v6 =	vmul.f32 v19, v6;
	v23 =	vbroadcast v23, $0x0  }
0x28d: {  	v11 =	vmul.f32 v20, v11;
	v21 =	vld [tilespmem:s0+$0x4530];
	(erf) = vpow2.f32 v22  }
0x28e: {  	v27 =	vld [tilespmem:s1+$0x2500];
	v8 =	vadd.f32 v8, v16;
	v22 =	vbroadcast v26, $0x0;
	(erf) = vpow2.f32 v23  }
0x28f: {  	v24 =	vld [tilespmem:s1+$0x500];
	v13 =	vmul.f32 v20, v13;
	v5 =	vmul.f32 v20, v5;
	v6 =	vadd.f32 v6, v12  }
0x290: {  	v19 =	vld [tilespmem:s1+$0x2520];
	v15 =	vadd.f32 v15, v17;
	v8 =	vadd.f32 v8, v11;
	(erf) = vpow2.f32 v22  }
0x291: {  	v18 =	vadd.f32 v25, v18;
	v17 =	vld [tilespmem:s1+$0x520];
	v5 =	vadd.f32 v6, v5;
	v11 =	vpop (erf)  }
0x292: {  	v12 =	vld [tilespmem:s1+$0x4500];
	v13 =	vadd.f32 v15, v13;
	v16 =	vmul.f32 v21, v20;
	v6 =	vmul.f32 v11, v8  }
0x293: {  	v15 =	vld [tilespmem:s1+$0x4510];
	v5 =	vmul.f32 v11, v5  }
0x294: {  	v21 =	vld [tilespmem:s1+$0x2510];
	v8 =	vmul.f32 v11, v13;
	v16 =	vadd.f32 v16, v18  }
0x295: {  	v18 =	vld [tilespmem:s1+$0x4520];
	[tilespmem:s0+$0x1A500] =	vst v6;
	s5 =	spop (v2sf)  }
0x296: {  	[tilespmem:s0+$0x1A510] =	vst v8;
	v16 =	vmul.f32 v16, v11;
	v6 =	vpop (erf);
	s6 =	spop (v2sf)  }
0x297: {  	[tilespmem:s0+$0x1A520] =	vst v5;
	v5 =	vpop (erf);
	s19 =	smax.f32 s5, s6;
	s21 =	spop (v2sf)  }
0x298: {  	[tilespmem:s0+$0x1A530] =	vst v16;
	v8 =	vadd.f32 v5, v6;
	s22 =	smax.f32 s21, s19  }
0x299: {  	v10 =	vmul.f32 v6, v10;
	v11 =	vld [tilespmem:s31+$0x530];
	v13 =	vpop (erf);
	s18 =	ssub.f32 s21, s22  }
0x29a: {  	v9 =	vmul.f32 v6, v9;
	v4 =	vmul.f32 v6, v4;
	v8 =	vadd.f32 v8, v13;
	s5 =	ssub.f32 s5, s22  }
0x29b: {  	v16 =	vld [tilespmem:s31+$0x2530];
	v14 =	vmul.f32 v5, v14;
	v2 =	vmul.f32 v5, v2  }
0x29c: {  	s0 =	ssub.f32 s6, s22;
	(erf) = vrcp.f32 v8;
	v20 =	vmov s18;
	v22 =	vmov s5  }
0x29d: {  	v20 =	vmul.f32 $1.442695020e+00, v20;
	v8 =	vmul.f32 $1.442695020e+00, v22;
	v22 =	vld [tilespmem:s31+$0x4530]  }
0x29e: {  	v0 =	vmul.f32 v5, v0;
	v11 =	vmul.f32 v11, v6;
	v23 =	vmov s0  }
0x29f: {  	v23 =	vmul.f32 $1.442695020e+00, v23;
	v20 =	vbroadcast v20, $0x0  }
0x2a0: {  	v16 =	vmul.f32 v16, v5;
	v8 =	vbroadcast v8, $0x0  }
0x2a1: {  	(erf) = vpow2.f32 v20;
	v20 =	vbroadcast v23, $0x0  }
0x2a2: {  	v6 =	vadd.f32 v16, v11;
	(erf) = vpow2.f32 v8;
	v8 =	vmul.f32 v22, v13  }
0x2a3: {  	v1 =	vmul.f32 v13, v1;
	v10 =	vadd.f32 v14, v10;
	v5 =	vmul.f32 v13, v7  }
0x2a4: {  	v2 =	vadd.f32 v2, v9;
	(erf) = vpow2.f32 v20;
	v6 =	vadd.f32 v8, v6  }
0x2a5: {  	v3 =	vmul.f32 v13, v3;
	v0 =	vadd.f32 v0, v4;
	v4 =	vadd.f32 v10, v5;
	v7 =	vpop (erf)  }
0x2a6: {  	v1 =	vadd.f32 v2, v1;
	v2 =	vmul.f32 v6, v7  }
0x2a7: {  	v0 =	vadd.f32 v0, v3;
	v3 =	vmul.f32 v7, v4;
	_ =	sdelay $0x1  }
0x2a8: {  	v1 =	vmul.f32 v7, v1;
	v0 =	vmul.f32 v7, v0;
	[tilespmem:s31+$0x1A500] =	vst v3  }
0x2a9: {  	[tilespmem:s31+$0x1A530] =	vst v2;
	v2 =	vpop (erf)  }
0x2aa: {  	[tilespmem:s31+$0x1A510] =	vst v1;
	v3 =	vpop (erf)  }
0x2ab: {  	[tilespmem:s31+$0x1A520] =	vst v0;
	v1 =	vadd.f32 v3, v2  }
0x2ac: {  	v4 =	vld [tilespmem:s1+$0x530];
	v0 =	vpop (erf)  }
0x2ad: {  	v5 =	vld [tilespmem:s1+$0x2530];
	v1 =	vadd.f32 v1, v0;
	_ =	sdelay $0x1  }
0x2ae: {  	(erf) = vrcp.f32 v1  }
0x2af: {  	v1 =	vld [tilespmem:s1+$0x4530]  }
0x2b0: {  	v6 =	vmul.f32 v2, v24  }
0x2b1: {  	v4 =	vmul.f32 v4, v2;
	v5 =	vmul.f32 v5, v3  }
0x2b2: {  	v7 =	vmul.f32 v2, v28;
	v8 =	vmul.f32 v3, v27  }
0x2b3: {  	v9 =	vmul.f32 v3, v21;
	v2 =	vmul.f32 v2, v17;
	v4 =	vadd.f32 v5, v4  }
0x2b4: {  	v3 =	vmul.f32 v3, v19;
	v1 =	vmul.f32 v1, v0  }
0x2b5: {  	v5 =	vadd.f32 v8, v6;
	v6 =	vmul.f32 v0, v12;
	v8 =	vmul.f32 v0, v15  }
0x2b6: {  	v2 =	vadd.f32 v3, v2;
	v0 =	vmul.f32 v0, v18;
	v1 =	vadd.f32 v1, v4  }
0x2b7: {  	v7 =	vadd.f32 v9, v7;
	v3 =	vadd.f32 v5, v6;
	v4 =	vpop (erf)  }
0x2b8: {  	v0 =	vadd.f32 v2, v0;
	v1 =	vmul.f32 v1, v4  }
0x2b9: {  	v5 =	vadd.f32 v7, v8;
	v2 =	vmul.f32 v4, v3  }
0x2ba: {  	v0 =	vmul.f32 v4, v0;
	[tilespmem:s1+$0x1A530] =	vst v1  }
0x2bb: {  	v1 =	vmul.f32 v4, v5;
	[tilespmem:s1+$0x1A500] =	vst v2  }
0x2bc: {  	[tilespmem:s1+$0x1A520] =	vst v0  }
0x2bd: {  	s5 =	simm.s32 $0x0;
	[tilespmem:s1+$0x1A510] =	vst v1  }
0x2be: {  	[hbm4b:s11+s5] =	stream.linear.scatter [tilespmem:s26], [sflag:$0x5], $0x2000, $0x38;
	[tilespmem:$0x1C500] =	vst v63  }
0x2bf: {  	_ =	swait.ge [sflag:s15], $0x2000  }
0x2c0: {  	[sflag:s15] =	ssyncset.done $0x0  }
0x2c1: {  	[sflag:s15] =	ssyncadd.s32 $0xFFFFE000  }
0x2c2: {  	[tilespmem:s23], [sflag:$0x5] =	stream.linear.gather [hbm4b:s12+s5], $0x2000, $0x38;
	[tilespmem:$0x1C500] =	vst v63  }
0x2c3: {  	_ =	swait.ge [sflag:s15], $0x2000  }
0x2c4: {  	[sflag:s15] =	ssyncset.done $0x0  }
0x2c5: {  	[sflag:s15] =	ssyncadd.s32 $0xFFFFE000  }
0x2c6: {  	_ =	swait.ge [sflag:s28], $0x6000  }
0x2c7: {  	[sflag:s28] =	ssyncset.done $0x0  }
0x2c8: {  	[sflag:s28] =	ssyncadd.s32 $0xFFFFA000  }
0x2c9: {  	_ =	swait.ge [sflag:s29], $0x6000  }
0x2ca: {  	[sflag:s29] =	ssyncset.done $0x0  }
0x2cb: {  	s0 =	simm.s32 $0x0;
	[sflag:s29] =	ssyncadd.s32 $0xFFFFA000  }
0x2cc: {  	v0 =	vld [tilespmem:s0+$0x12530]  }
0x2cd: {  	v1 =	vld [tilespmem:s0+$0x12520]  }
0x2ce: {  	v2 =	vld [tilespmem:s0+$0x12500]  }
0x2cf: {  	v3 =	vld [tilespmem:s0+$0x12510]  }
0x2d0: {  	v4 =	vld [tilespmem:s0+$0x18500]  }
0x2d1: {  	v5 =	vld [tilespmem:s0+$0x18510]  }
0x2d2: {  	v6 =	vld [tilespmem:s0+$0x18520]  }
0x2d3: {  	v7 =	vld [tilespmem:s0+$0x14500]  }
0x2d4: {  	v8 =	vld [tilespmem:s0+$0x14510]  }
0x2d5: {  	v9 =	vld [tilespmem:s0+$0x18530]  }
0x2d6: {  	v10 =	vld [tilespmem:s0+$0x16500]  }
0x2d7: {  	v11 =	vld [tilespmem:s0+$0x16510]  }
0x2d8: {  	v12 =	vld [tilespmem:s0+$0x14520]  }
0x2d9: {  	v13 =	vld [tilespmem:s0+$0x16520];
	v2 =	vmul.f32 v2, v4;
	v3 =	vmul.f32 v3, v5  }
0x2da: {  	v14 =	vld [tilespmem:s0+$0x14530];
	v1 =	vmul.f32 v1, v6  }
0x2db: {  	v15 =	vld [tilespmem:s0+$0x16530];
	v2 =	vadd.f32 v3, v2;
	v3 =	vmul.f32 v7, v4;
	v7 =	vmul.f32 v8, v5  }
0x2dc: {  	v4 =	vmul.f32 v10, v4;
	v5 =	vmul.f32 v11, v5  }
0x2dd: {  	v1 =	vadd.f32 v1, v2;
	v2 =	vadd.f32 v7, v3;
	v3 =	vmul.f32 v12, v6  }
0x2de: {  	v0 =	vmul.f32 v0, v9;
	v4 =	vadd.f32 v5, v4;
	v5 =	vmul.f32 v13, v6  }
0x2df: {  	v2 =	vadd.f32 v3, v2;
	v3 =	vmul.f32 v14, v9  }
0x2e0: {  	v0 =	vadd.f32 v0, v1;
	v1 =	vadd.f32 v5, v4;
	v4 =	vmul.f32 v15, v9  }
0x2e1: {  	v16 =	vld [tilespmem:s0+$0x6500];
	v2 =	vadd.f32 v3, v2  }
0x2e2: {  	s31 =	simm.s32 $0x40;
	v17 =	vld [tilespmem:s0+$0x6510];
	(xrf2) =	vadd.scan.msk.f32 $0xffff, v0;
	v0 =	vadd.f32 v4, v1  }
0x2e3: {  	v18 =	vld [tilespmem:s31+$0x18520];
	(xrf2) =	vadd.scan.msk.f32 $0xffff, v2  }
0x2e4: {  	v19 =	vld [tilespmem:s31+$0x14510];
	(xrf2) =	vadd.scan.msk.f32 $0xffff, v0  }
0x2e5: {  	v20 =	vld [tilespmem:s31+$0x18530]  }
0x2e6: {  	v21 =	vld [tilespmem:s31+$0x16500]  }
0x2e7: {  	v22 =	vld [tilespmem:s31+$0x16510]  }
0x2e8: {  	v23 =	vld [tilespmem:s31+$0x14530]  }
0x2e9: {  	v24 =	vld [tilespmem:s31+$0x16520]  }
0x2ea: {  	s1 =	simm.s32 $0x80;
	v25 =	vld [tilespmem:s31+$0x16530]  }
0x2eb: {  	v27 =	vld [tilespmem:s1+$0x12520]  }
0x2ec: {  	v26 =	vld [tilespmem:s1+$0x12510];
	v7, _, _ =	vpop (xrf2)  }
0x2ed: {  	v9 =	vld [tilespmem:s31+$0x18510];
	v10, _, _ =	vpop (xrf2)  }
0x2ee: {  	v3 =	vld [tilespmem:s31+$0x12510];
	(v2sf) =	vpush v10, $0xF;
	v10, _, _ =	vpop (xrf2)  }
0x2ef: {  	v4 =	vld [tilespmem:s31+$0x18500];
	(v2sf) =	vpush v10, $0xF  }
0x2f0: {  	v2 =	vld [tilespmem:s31+$0x12500];
	(v2sf) =	vpush v7, $0xF  }
0x2f1: {  	v14 =	vld [tilespmem:s31+$0x14500]  }
0x2f2: {  	v1 =	vld [tilespmem:s31+$0x12520]  }
0x2f3: {  	v0 =	vld [tilespmem:s31+$0x12530]  }
0x2f4: {  	v7 =	vld [tilespmem:s31+$0x14520]  }
0x2f5: {  	v8 =	vld [tilespmem:s0+$0x8500];
	v3 =	vmul.f32 v3, v9;
	v2 =	vmul.f32 v2, v4  }
0x2f6: {  	v11 =	vld [tilespmem:s0+$0xA500];
	v19 =	vmul.f32 v19, v9  }
0x2f7: {  	v12 =	vld [tilespmem:s0+$0x6520];
	v1 =	vmul.f32 v1, v18;
	v2 =	vadd.f32 v3, v2;
	v3 =	vmul.f32 v14, v4  }
0x2f8: {  	v6 =	vld [tilespmem:s0+$0x8520];
	v4 =	vmul.f32 v21, v4;
	v21 =	vmul.f32 v22, v9  }
0x2f9: {  	v13 =	vld [tilespmem:s0+$0xA510];
	v0 =	vmul.f32 v0, v20;
	v3 =	vadd.f32 v19, v3;
	v7 =	vmul.f32 v7, v18  }
0x2fa: {  	v15 =	vld [tilespmem:s0+$0x8510];
	v1 =	vadd.f32 v1, v2;
	v19 =	vadd.f32 v21, v4;
	v18 =	vmul.f32 v24, v18  }
0x2fb: {  	v5 =	vld [tilespmem:s0+$0xA520];
	v3 =	vadd.f32 v7, v3;
	v7 =	vmul.f32 v23, v20  }
0x2fc: {  	v14 =	vld [tilespmem:s31+$0x8500];
	v1 =	vadd.f32 v0, v1;
	v18 =	vadd.f32 v18, v19;
	v19 =	vmul.f32 v25, v20  }
0x2fd: {  	v9 =	vld [tilespmem:s31+$0x6510];
	v3 =	vadd.f32 v7, v3;
	s6 =	spop (v2sf)  }
0x2fe: {  	v22 =	vld [tilespmem:s1+$0x18510];
	(xrf2) =	vadd.scan.msk.f32 $0xffff, v1;
	v18 =	vadd.f32 v19, v18;
	s22 =	spop (v2sf)  }
0x2ff: {  	v2 =	vld [tilespmem:s31+$0x8510];
	(xrf2) =	vadd.scan.msk.f32 $0xffff, v3;
	s19 =	smax.f32 s6, s22;
	s21 =	spop (v2sf)  }
0x300: {  	v4 =	vld [tilespmem:s31+$0x6520];
	(xrf2) =	vadd.scan.msk.f32 $0xffff, v18;
	s18 =	smax.f32 s21, s19  }
0x301: {  	v0 =	vld [tilespmem:s31+$0x8520];
	s19 =	ssub.f32 s21, s18  }
0x302: {  	v10 =	vld [tilespmem:s31+$0x6500];
	s5 =	ssub.f32 s6, s18  }
0x303: {  	v63 =	vmul.f32 v26, v22;
	v26 =	vld [tilespmem:s1+$0x16500];
	v19 =	vmov s19  }
0x304: {  	v1 =	vld [tilespmem:s31+$0xA510];
	s22 =	ssub.f32 s22, s18;
	v21 =	vmov s5;
	v19 =	vmul.f32 $1.442695020e+00, v19  }
0x305: {  	v25 =	vld [tilespmem:s1+$0x12500];
	v21 =	vmul.f32 $1.442695020e+00, v21  }
0x306: {  	v20 =	vld [tilespmem:s1+$0x18500];
	v23 =	vmov s22;
	v24 =	vbroadcast v19, $0x0  }
0x307: {  	v7 =	vld [tilespmem:s31+$0xA500];
	v28 =	vmul.f32 $1.442695020e+00, v23;
	v21 =	vbroadcast v21, $0x0  }
0x308: {  	v29, _, _ =	vpop (xrf2);
	v18 =	vld [tilespmem:s1+$0x12530];
	(erf) = vpow2.f32 v24  }
0x309: {  	v23 =	vld [tilespmem:s1+$0x14500];
	v30, _, _ =	vpop (xrf2);
	v28 =	vbroadcast v28, $0x0;
	(erf) = vpow2.f32 v21  }
0x30a: {  	v19 =	vld [tilespmem:s1+$0x18520];
	(v2sf) =	vpush v30, $0xF;
	v30, _, _ =	vpop (xrf2)  }
0x30b: {  	(v2sf) =	vpush v30, $0xF;
	v24 =	vld [tilespmem:s1+$0x14510];
	(erf) = vpow2.f32 v28  }
0x30c: {  	(v2sf) =	vpush v29, $0xF;
	v21 =	vld [tilespmem:s1+$0x18530]  }
0x30d: {  	v3 =	vld [tilespmem:s31+$0xA520];
	v31 =	vmul.f32 v25, v20  }
0x30e: {  	v25 =	vld [tilespmem:s1+$0x14520]  }
0x30f: {  	s18 =	simm.s32 $0x300;
	v28 =	vadd.f32 v63, v31;
	v29 =	vmul.f32 v27, v19;
	v27 =	vld [tilespmem:s1+$0x16510]  }
.LBB2_8:
0x310: {  	p0 =	sne.s32 s18, $0x7F00;
	v23 =	vmul.f32 v23, v20;
	v24 =	vmul.f32 v24, v22;
	v30 =	vld [tilespmem:s1+$0x14530]  }
0x311: {  	v28 =	vadd.f32 v29, v28;
	v18 =	vmul.f32 v18, v21;
	v29 =	vld [tilespmem:s1+$0x16520];
	v31 =	vpop (erf)  }
0x312: {  	v23 =	vadd.f32 v24, v23;
	v24 =	vld [tilespmem:s1+$0x6500];
	v32 =	vmul.f32 v31, v16;
	v33 =	vmul.f32 v31, v17;
	v34 =	vpop (erf)  }
0x313: {  	v25 =	vmul.f32 v25, v19;
	v16 =	vmovc v10;
	v18 =	vadd.f32 v18, v28;
	v28 =	vld [tilespmem:s1+$0x16530];
	v35 =	vadd.f32 v34, v31  }
0x314: {  	v17 =	vmov v9;
	v36 =	vmul.f32 v26, v20;
	v20 =	vmul.f32 v27, v22;
	v22 =	vld [tilespmem:s1+$0x8500];
	v26 =	vpop (erf)  }
0x315: {  	v9 =	vadd.f32 v25, v23;
	v23 =	vmul.f32 v30, v21;
	(xrf2) =	vadd.scan.msk.f32 $0xffff, v18;
	v18 =	vadd.f32 v35, v26;
	v25 =	vld [tilespmem:s0+$0x6530]  }
0x316: {  	v27 =	vmul.f32 v34, v8;
	v8 =	vmovc v14;
	v20 =	vadd.f32 v20, v36;
	v19 =	vmul.f32 v29, v19;
	v29 =	vld [tilespmem:s0+$0x8530]  }
0x317: {  	v30 =	vadd.f32 v23, v9;
	v9 =	vld [tilespmem:s1+$0x6510];
	v23 =	vmul.f32 v34, v15;
	(erf) = vrcp.f32 v18;
	v10 =	vmovc v24;
	v15 =	vmovc v2  }
0x318: {  	v18 =	vadd.f32 v19, v20;
	v19 =	vmul.f32 v28, v21;
	v20 =	vmul.f32 v31, v12;
	v21 =	vld [tilespmem:s0+$0xA530];
	v12 =	vmovc v4  }
0x319: {  	v24 =	vadd.f32 v27, v32;
	v27 =	vmul.f32 v34, v6;
	v2 =	vld [tilespmem:s1+$0x8510];
	(xrf2) =	vadd.scan.msk.f32 $0xffff, v30;
	s5 =	spop (v2sf);
	v23 =	vadd.f32 v23, v33  }
0x31a: {  	v28 =	vmul.f32 v26, v11;
	v30 =	vmul.f32 v26, v13;
	v14 =	vmovc v22;
	v18 =	vadd.f32 v19, v18;
	v4 =	vld [tilespmem:s1+$0x6520];
	s6 =	spop (v2sf)  }
0x31b: {  	v6 =	vmovc v0;
	v19 =	vadd.f32 v27, v20;
	v20 =	vmul.f32 v25, v31;
	s19 =	smax.f32 s5, s6;
	s21 =	spop (v2sf);
	v22 =	vmul.f32 v29, v34;
	v0 =	vld [tilespmem:s1+$0x8520]  }
0x31c: {  	v24 =	vadd.f32 v24, v28;
	v23 =	vadd.f32 v23, v30;
	v25 =	vld [tilespmem:s1+$0xA500];
	(xrf2) =	vadd.scan.msk.f32 $0xffff, v18;
	s19 =	smax.f32 s21, s19;
	v18 =	vmul.f32 v26, v5  }
0x31d: {  	v11 =	vmovc v7;
	v13 =	vmovc v1;
	v5 =	vmov v3;
	s21 =	ssub.f32 s21, s19;
	v20 =	vadd.f32 v22, v20;
	v22 =	vmul.f32 v21, v26;
	v1 =	vld [tilespmem:s1+$0xA510]  }
0x31e: {  	s22 =	sshra.s32 s18, $0x2;
	s5 =	ssub.f32 s5, s19;
	v3 =	vld [tilespmem:s1+$0xA520];
	v26 =	vadd.f32 v19, v18  }
0x31f: {  	v18 =	vld [tilespmem:s22+$0x12530];
	v27, _, _ =	vpop (xrf2);
	v31 =	vmov s21;
	v19 =	vadd.f32 v22, v20  }
0x320: {  	v30 =	vmov s5;
	s5 =	ssub.f32 s6, s19;
	v29 =	vld [tilespmem:s22+$0x12520];
	v20 =	vmul.f32 $1.442695020e+00, v31;
	v21 =	vpop (erf)  }
0x321: {  	v22 =	vmul.f32 $1.442695020e+00, v30;
	v28 =	vld [tilespmem:s22+$0x12500];
	v19 =	vmul.f32 v19, v21;
	v7 =	vmov v25  }
0x322: {  	v31 =	vmov s5;
	v24 =	vmul.f32 v21, v24;
	v25 =	vld [tilespmem:s22+$0x12510];
	v30 =	vbroadcast v20, $0x0  }
0x323: {  	v33 =	vbroadcast v22, $0x0;
	v34 =	vmul.f32 $1.442695020e+00, v31;
	v20 =	vld [tilespmem:s22+$0x18500];
	v32, _, _ =	vpop (xrf2);
	[tilespmem:s0+$0x1A530] =	vst v19  }
0x324: {  	v22 =	vld [tilespmem:s22+$0x18510];
	(erf) = vpow2.f32 v30;
	[tilespmem:s0+$0x1A500] =	vst v24;
	v24 =	vmul.f32 v21, v23  }
0x325: {  	v30 =	vbroadcast v34, $0x0;
	v19 =	vld [tilespmem:s22+$0x18520];
	(erf) = vpow2.f32 v33  }
0x326: {  	v26 =	vmul.f32 v21, v26;
	v23 =	vld [tilespmem:s22+$0x14500];
	(v2sf) =	vpush v32, $0xF;
	v31, _, _ =	vpop (xrf2);
	[tilespmem:s0+$0x1A510] =	vst v24  }
.Ltmp3:
0x327: {  	v24 =	vld [tilespmem:s22+$0x14510];
	(v2sf) =	vpush v31, $0xF;
	(erf) = vpow2.f32 v30;
	(pc) =	sbr.rel @p0 .LBB2_8-.Ltmp3, $4  }
0x328: {  	v21 =	vld [tilespmem:s22+$0x18530];
	(v2sf) =	vpush v27, $0xF;
	[tilespmem:s0+$0x1A520] =	vst v26;
	s0 =	smov.u32 s31;
	s31 =	smov.u32 s1;
	s1 =	smov.u32 s22  }
0x329: {  	v27 =	vmul.f32 v28, v20;
	v28 =	vmul.f32 v25, v22;
	v25 =	vld [tilespmem:s1+$0x14520]  }
0x32a: {  	v26 =	vld [tilespmem:s1+$0x16500]  }
0x32b: {  	s18 =	sadd.s32 $0x100, s18;
	v29 =	vmul.f32 v29, v19;
	v28 =	vadd.f32 v28, v27;
	v27 =	vld [tilespmem:s1+$0x16510]  }
0x32c: {  	_ = 	snop  }
0x32d: {  	v30 =	vld [tilespmem:s1+$0x16520]  }
0x32e: {  	v31 =	vld [tilespmem:s1+$0x14530]  }
0x32f: {  	v23 =	vmul.f32 v23, v20;
	v24 =	vmul.f32 v24, v22;
	v32 =	vld [tilespmem:s1+$0x16530]  }
0x330: {  	v62 =	vmul.f32 v26, v20;
	v63 =	vmul.f32 v27, v22  }
0x331: {  	v29 =	vadd.f32 v29, v28;
	v23 =	vadd.f32 v24, v23;
	v33 =	vmul.f32 v25, v19  }
0x332: {  	v18 =	vmul.f32 v18, v21;
	v34 =	vmul.f32 v30, v19;
	v20 =	vadd.f32 v63, v62  }
0x333: {  	v35 =	vadd.f32 v33, v23;
	v36 =	vmul.f32 v31, v21  }
0x334: {  	v18 =	vadd.f32 v18, v29;
	v37 =	vmul.f32 v32, v21;
	v19 =	vadd.f32 v34, v20  }
0x335: {  	v38 =	vadd.f32 v36, v35  }
0x336: {  	(xrf2) =	vadd.scan.msk.f32 $0xffff, v18;
	v39 =	vadd.f32 v37, v19  }
0x337: {  	(xrf2) =	vadd.scan.msk.f32 $0xffff, v38  }
0x338: {  	(xrf2) =	vadd.scan.msk.f32 $0xffff, v39;
	_ =	sdelay $0x4  }
0x339: {  	v40 =	vpop (erf)  }
0x33a: {  	v41 =	vpop (erf)  }
0x33b: {  	v44 =	vadd.f32 v41, v40;
	v42 =	vpop (erf);
	s5 =	spop (v2sf)  }
0x33c: {  	v46 =	vld [tilespmem:s0+$0x6530];
	s6 =	spop (v2sf);
	v43, _, _ =	vpop (xrf2)  }
0x33d: {  	v48 =	vld [tilespmem:s0+$0x8530];
	v22 =	vadd.f32 v44, v42;
	s18 =	smax.f32 s5, s6;
	s19 =	spop (v2sf);
	v45, _, _ =	vpop (xrf2)  }
0x33e: {  	v49 =	vld [tilespmem:s0+$0xA530];
	v16 =	vmul.f32 v40, v16;
	v17 =	vmul.f32 v40, v17;
	s18 =	smax.f32 s19, s18;
	(v2sf) =	vpush v45, $0xF;
	v47, _, _ =	vpop (xrf2)  }
0x33f: {  	v12 =	vmul.f32 v40, v12;
	(erf) = vrcp.f32 v22;
	s19 =	ssub.f32 s19, s18;
	(v2sf) =	vpush v47, $0xF  }
0x340: {  	v8 =	vmul.f32 v41, v8;
	v15 =	vmul.f32 v41, v15;
	s5 =	ssub.f32 s5, s18;
	(v2sf) =	vpush v43, $0xF  }
0x341: {  	v6 =	vmul.f32 v41, v6;
	v18 =	vmul.f32 v46, v40;
	v50 =	vmov s19  }
0x342: {  	v25 =	vmul.f32 v48, v41;
	s18 =	ssub.f32 s6, s18;
	v51 =	vmov s5;
	v22 =	vmul.f32 $1.442695020e+00, v50  }
0x343: {  	v52 =	vld [tilespmem:s1+$0x6500];
	v8 =	vadd.f32 v8, v16;
	v55 =	vmul.f32 v49, v42;
	v23 =	vmul.f32 $1.442695020e+00, v51  }
0x344: {  	v54 =	vld [tilespmem:s1+$0x6510];
	v11 =	vmul.f32 v42, v11;
	v53 =	vmov s18;
	v22 =	vbroadcast v22, $0x0  }
0x345: {  	v56 =	vld [tilespmem:s1+$0x8510];
	v18 =	vadd.f32 v25, v18;
	v26 =	vmul.f32 $1.442695020e+00, v53;
	v23 =	vbroadcast v23, $0x0  }
0x346: {  	v58 =	vld [tilespmem:s1+$0x6520];
	v6 =	vadd.f32 v6, v12;
	v5 =	vmul.f32 v42, v5;
	(erf) = vpow2.f32 v22  }
0x347: {  	v59 =	vld [tilespmem:s1+$0x8520];
	v16 =	vadd.f32 v55, v18;
	v57 =	vbroadcast v26, $0x0;
	(erf) = vpow2.f32 v23  }
0x348: {  	v60 =	vld [tilespmem:s1+$0xA500];
	v15 =	vadd.f32 v15, v17;
	v13 =	vmul.f32 v42, v13;
	v5 =	vadd.f32 v6, v5;
	v61 =	vpop (erf)  }
0x349: {  	v27 =	vld [tilespmem:s1+$0x8500];
	v8 =	vadd.f32 v8, v11;
	v16 =	vmul.f32 v16, v61;
	(erf) = vpow2.f32 v57  }
0x34a: {  	v62 =	vld [tilespmem:s1+$0xA510];
	v13 =	vadd.f32 v15, v13;
	v5 =	vmul.f32 v61, v5  }
0x34b: {  	v63 =	vld [tilespmem:s1+$0xA520];
	[tilespmem:s0+$0x1A530] =	vst v16;
	v22 =	vmul.f32 v61, v8  }
0x34c: {  	[tilespmem:s0+$0x1A520] =	vst v5;
	v23 =	vmul.f32 v61, v13  }
0x34d: {  	[tilespmem:s0+$0x1A500] =	vst v22;
	s5 =	spop (v2sf)  }
0x34e: {  	[tilespmem:s0+$0x1A510] =	vst v23;
	s6 =	spop (v2sf)  }
0x34f: {  	v30 =	vld [tilespmem:s31+$0x6530];
	v25 =	vpop (erf);
	s19 =	smax.f32 s5, s6;
	s21 =	spop (v2sf)  }
0x350: {  	v26 =	vpop (erf);
	s22 =	smax.f32 s21, s19  }
0x351: {  	v29 =	vadd.f32 v26, v25;
	s18 =	ssub.f32 s21, s22  }
0x352: {  	v10 =	vmul.f32 v25, v10;
	v31 =	vpop (erf);
	s5 =	ssub.f32 s5, s22  }
0x353: {  	v16 =	vld [tilespmem:s31+$0x8530];
	v9 =	vmul.f32 v25, v9;
	v8 =	vadd.f32 v29, v31;
	v32 =	vmov s18  }
0x354: {  	v11 =	vmul.f32 v30, v25;
	s0 =	ssub.f32 s6, s22;
	v33 =	vmov s5;
	v20 =	vmul.f32 $1.442695020e+00, v32  }
0x355: {  	(erf) = vrcp.f32 v8;
	v34 =	vmul.f32 $1.442695020e+00, v33  }
0x356: {  	v35 =	vld [tilespmem:s31+$0xA530];
	v4 =	vmul.f32 v25, v4;
	v36 =	vmov s0;
	v20 =	vbroadcast v20, $0x0  }
0x357: {  	v23 =	vmul.f32 $1.442695020e+00, v36;
	v8 =	vbroadcast v34, $0x0  }
0x358: {  	v16 =	vmul.f32 v16, v26;
	(erf) = vpow2.f32 v20  }
0x359: {  	v37 =	vbroadcast v23, $0x0;
	(erf) = vpow2.f32 v8  }
0x35a: {  	v14 =	vmul.f32 v26, v14;
	v2 =	vmul.f32 v26, v2  }
0x35b: {  	v39 =	vmul.f32 v35, v31;
	v38 =	vadd.f32 v16, v11;
	(erf) = vpow2.f32 v37  }
0x35c: {  	v0 =	vmul.f32 v26, v0;
	v40 =	vmul.f32 v31, v7;
	v10 =	vadd.f32 v14, v10  }
0x35d: {  	v1 =	vmul.f32 v31, v1;
	v2 =	vadd.f32 v2, v9;
	v6 =	vadd.f32 v39, v38  }
0x35e: {  	v3 =	vmul.f32 v31, v3;
	v0 =	vadd.f32 v0, v4;
	v42 =	vadd.f32 v10, v40;
	v41 =	vpop (erf)  }
0x35f: {  	v1 =	vadd.f32 v2, v1;
	v43 =	vmul.f32 v6, v41  }
0x360: {  	v0 =	vadd.f32 v0, v3;
	v44 =	vmul.f32 v41, v42  }
0x361: {  	v1 =	vmul.f32 v41, v1;
	[tilespmem:s31+$0x1A530] =	vst v43;
	v45 =	vpop (erf)  }
0x362: {  	v0 =	vmul.f32 v41, v0;
	[tilespmem:s31+$0x1A500] =	vst v44;
	v46 =	vpop (erf)  }
0x363: {  	[tilespmem:s31+$0x1A510] =	vst v1;
	v47 =	vadd.f32 v46, v45  }
0x364: {  	[tilespmem:s31+$0x1A520] =	vst v0;
	v48 =	vpop (erf)  }
0x365: {  	v49 =	vld [tilespmem:s1+$0x6530];
	v1 =	vadd.f32 v47, v48  }
0x366: {  	v50 =	vld [tilespmem:s1+$0x8530]  }
0x367: {  	(erf) = vrcp.f32 v1  }
0x368: {  	v51 =	vld [tilespmem:s1+$0xA530];
	_ =	sdelay $0x1  }
0x369: {  	v52 =	vmul.f32 v45, v52;
	v53 =	vmul.f32 v45, v54  }
0x36a: {  	v4 =	vmul.f32 v49, v45;
	v5 =	vmul.f32 v50, v46  }
0x36b: {  	v2 =	vmul.f32 v45, v58;
	v54 =	vmul.f32 v46, v27  }
0x36c: {  	v55 =	vmul.f32 v46, v56;
	v4 =	vadd.f32 v5, v4;
	v1 =	vmul.f32 v51, v48  }
0x36d: {  	v3 =	vmul.f32 v46, v59;
	v57 =	vmul.f32 v48, v60;
	v56 =	vadd.f32 v54, v52  }
0x36e: {  	v58 =	vmul.f32 v48, v62;
	v7 =	vadd.f32 v55, v53;
	v1 =	vadd.f32 v1, v4  }
0x36f: {  	v0 =	vmul.f32 v48, v63;
	v2 =	vadd.f32 v3, v2;
	v59 =	vadd.f32 v56, v57;
	v60 =	vpop (erf)  }
0x370: {  	v61 =	vadd.f32 v7, v58;
	v1 =	vmul.f32 v1, v60  }
0x371: {  	v0 =	vadd.f32 v2, v0;
	v62 =	vmul.f32 v60, v59  }
0x372: {  	v63 =	vmul.f32 v60, v61;
	[tilespmem:s1+$0x1A530] =	vst v1  }
0x373: {  	s30 =	sadd.s32 $0x1, s30;
	v0 =	vmul.f32 v60, v0;
	[tilespmem:s1+$0x1A500] =	vst v62  }
0x374: {  	p0 =	sne.s32 s30, s14;
	[tilespmem:s1+$0x1A510] =	vst v63  }
.Ltmp4:
0x375: {  	[tilespmem:s1+$0x1A520] =	vst v0;
	(pc) =	sbr.rel @p0 .LBB2_1-.Ltmp4, $4  }
0x376: {  	[hbm4b:s13+s2] =	stream.linear.scatter [tilespmem:s26], [sflag:$0x5], $0x2000, $0x38;
	[tilespmem:$0x1C500] =	vst v63  }
0x377: {  	_ =	swait.ge [sflag:s15], $0x2000  }
0x378: {  	[sflag:s15] =	ssyncset.done $0x0  }
0x379: {  	[sflag:s15] =	ssyncadd.s32 $0xFFFFE000  }
0x37a: {  	_ =	sfence.sel $0x180000  }
0x37b: {  	[bflag:$0x0] =	sbarrier.arrive $0xFFFF  }
0x37c: {  	_ =	strace $0x90000047  }
0x37d: {  	s0 =	stileid.u32;
	[bflag:$0x2] =	sbarrier.arrive $0xFFFF  }
0x37e: {  	p0 =	sne.s32 s0, $0x0;
	s0 =	rddreg [dreg:$0x3]  }
0x37f: {  	s0 =	sadd.s32 @!p0 $0x100000, s0  }
0x380: {  	[sflag:s0] =	ssyncadd.tile.s32 @!p0 $0x1;
	_ =	shalt  }
.Lfunc_end2:
_tile_overlayer_lowered:
.L_overlay_start_2:
0x381: {  	(tag) =	ssettag $0x2  }
0x382: {  	s0 =	rddreg [dreg:$0x0];
	s2 =	stileid.u32  }
0x383: {  	s1 =	rddreg [dreg:$0x1];
	p0 =	sne.s32 s2, $0x0  }
0x384: {  	s3 =	rddreg [dreg:$0x2];
	[bflag:$0x3] =	sbarrier.arrive $0xFFFF;
	s2 =	simm.s32 @!p0 $0x1C05  }
0x385: {  	[timem:s3], [sflag:s2] =	dma.local @!p0 [hbm:s0], s1  }
0x386: {  	s0 =	simm.s32 @!p0 $0x5  }
0x387: {  	_ =	swait.ge @!p0 [sflag:s0], s1  }
0x388: {  	s1 =	ssub.s32 @!p0 $0x0, s1;
	[sflag:s0] =	ssyncset.done @!p0 $0x0  }
0x389: {  	[sflag:s0] =	ssyncadd.s32 @!p0 s1  }
0x38a: {  	[bflag:$0x3] =	sbarrier.arrive $0xFFFF  }
0x38b: {  	_ =	shalt  }

</sc_bundles>
